<compile_context>
chip_gen: v7x
topology: tpu7x:2x2x1
jax: 0.10.2.dev20260603
libtpu: 0.0.44.dev20260713+nightly
codegen_flags: <defaults>
</compile_context>

<pallas_src>
import functools

import jax
import jax.numpy as jnp
from jax import lax
from jax.experimental import pallas as pl
from jax.experimental.pallas import tpu as pltpu
from jax.experimental.pallas import tpu_sc as plsc

_C, _H, _W = 5, 512, 512
_NT = 1024
_NW = 32
_RW = _NT // _NW
_BAND = 8
_NB = _RW // _BAND
_SRC = 9
_PAD = 16
_WLEN = _SRC * _NT
_BLEN = _BAND * _NT


def _img_body(sh_ref, img_ref, out_ref):
    v = sh_ref[0]
    h = sh_ref[1]
    x = img_ref[...]
    x = pltpu.roll(x, jnp.mod(v, _H), 1)
    x = pltpu.roll(x, jnp.mod(h, _W), 2)
    out_ref[...] = x


def _sc_cat(sh_hbm, n_hbm, l0_hbm, l1_hbm, f_hbm,
            no_hbm, lo0_hbm, lo1_hbm, fo_hbm,
            shv, n_in, l0_in, l1_in, f_in, cnt_b, lo0_b, lo1_b, fo_b):
    wid = lax.axis_index("s") * 2 + lax.axis_index("c")
    pltpu.sync_copy(sh_hbm, shv)
    shvec = shv[...]
    vs = shvec[0]
    hs = shvec[1]
    dv = 2 * vs
    dh = 2 * hs
    vsf = lax.convert_element_type(vs, jnp.float32)
    hsf = lax.convert_element_type(hs, jnp.float32)
    dvf = vsf * 2.0
    dhf = hsf * 2.0
    iota = lax.broadcasted_iota(jnp.int32, (16,), 0)
    zf = jnp.zeros((16,), jnp.float32)

    def band_body(b, carry):
        bs = wid * _RW + b * _BAND
        ws = jnp.clip(bs - dv - 1, 0, _NT - _SRC)
        src_off = pl.multiple_of(ws * _NT, 128)
        dst = pl.ds(_PAD, _WLEN)
        pltpu.sync_copy(n_hbm.at[pl.ds(src_off, _WLEN)], n_in.at[dst])
        pltpu.sync_copy(l0_hbm.at[pl.ds(src_off, _WLEN)], l0_in.at[dst])
        pltpu.sync_copy(l1_hbm.at[pl.ds(src_off, _WLEN)], l1_in.at[dst])
        pltpu.sync_copy(f_hbm.at[pl.ds(src_off, _WLEN)], f_in.at[dst])

        def row_body(rd, c2):
            dest = bs + rd
            s0 = dest - dv
            s1 = dest - dv - 1
            rp0 = s0 - ws
            rp1 = s1 - ws
            sf0 = lax.convert_element_type(s0, jnp.float32)
            sf1 = lax.convert_element_type(s1, jnp.float32)

            off1row = rp1 * _NT + _PAD
            srow_f = jnp.where(
                (s0 >= 0) & (s0 < _NT) & (rp0 >= 0) & (rp0 < _SRC),
                jnp.float32(1.0), jnp.float32(0.0))

            def base_chunk(c, acc):
                base = c * 16
                jd = base + iota
                off = jnp.clip(rp0 * _NT + base - dh + _PAD,
                               0, _PAD + _WLEN - 16)
                off1 = jnp.clip(off1row + base - dh, 0, _PAD + _WLEN - 16)
                jv = jd - dh
                nv = n_in[pl.ds(off, 16)]
                fv = f_in[pl.ds(off, 16)]
                l0v = l0_in[pl.ds(off, 16)]
                l1v = l1_in[pl.ds(off, 16)]
                l0s1 = l0_in[pl.ds(off1, 16)]
                jf = lax.convert_element_type(jv, jnp.float32)
                u0 = ((sf0 + l0v) * 0.5 + vsf) * 2.0
                u1 = ((jf + l1v) * 0.5 + hsf) * 2.0
                u0s1 = ((sf1 + l0s1) * 0.5 + vsf) * 2.0
                b0f = jnp.where(u0 >= sf0 + dvf + 1.0, 1.0, 0.0)
                b1f = jnp.where(u1 >= jf + dhf + 1.0, 1.0, 0.0)
                b0s1 = jnp.where(u0s1 >= sf1 + dvf + 1.0, 1.0, 0.0)
                colf = jnp.where((jv >= 0) & (jv < _NT), 1.0, 0.0)
                onf = jnp.where(nv > 0, 1.0, 0.0) * colf
                mf = onf * (1.0 - b0f) * (1.0 - b1f) * srow_f
                nl0 = u0 - (sf0 + dvf)
                nl1 = u1 - (jf + dhf)
                ob = pl.ds(rd * _NT + base, 16)
                cnt_b[ob] = mf.astype(jnp.int32)
                fo_b[ob] = fv * mf
                lo0_b[ob] = nl0 * mf
                lo1_b[ob] = nl1 * mf
                return jnp.maximum(acc, jnp.maximum(b1f * onf, b0s1 * colf))

            accfl = lax.fori_loop(0, 64, base_chunk, zf)
            accs = accfl[0]
            for _k in range(1, 16):
                accs = accs + accfl[_k]
            anyflag = accs > 0.0

            def full_chunk(c, c3):
                base = c * 16
                jd = base + iota
                acc_n = zf
                acc_f = zf
                acc_0 = zf
                acc_1 = zf
                for r0 in (0, 1):
                    s = dest - dv - r0
                    rp = s - ws
                    sf = sf1 if r0 else sf0
                    srow_f = jnp.where(
                        (s >= 0) & (s < _NT) & (rp >= 0) & (rp < _SRC),
                        jnp.float32(1.0), jnp.float32(0.0))
                    thr0 = sf + dvf + 1.0
                    sub0 = sf + dvf + jnp.float32(r0)
                    for r1 in (0, 1):
                        off = rp * _NT + base - dh - r1 + _PAD
                        off = jnp.clip(off, 0, _PAD + _WLEN - 16)
                        jv = jd - dh - r1
                        nv = n_in[pl.ds(off, 16)]
                        fv = f_in[pl.ds(off, 16)]
                        l0v = l0_in[pl.ds(off, 16)]
                        l1v = l1_in[pl.ds(off, 16)]
                        jf = lax.convert_element_type(jv, jnp.float32)
                        u0 = ((sf + l0v) * 0.5 + vsf) * 2.0
                        u1 = ((jf + l1v) * 0.5 + hsf) * 2.0
                        b0f = jnp.where(u0 >= thr0, 1.0, 0.0)
                        b1f = jnp.where(u1 >= jf + dhf + 1.0, 1.0, 0.0)
                        m0f = b0f if r0 else 1.0 - b0f
                        m1f = b1f if r1 else 1.0 - b1f
                        onf = jnp.where((nv > 0) & (jv >= 0) & (jv < _NT),
                                        1.0, 0.0)
                        mf = onf * m0f * m1f * srow_f
                        nl0 = u0 - sub0
                        nl1 = u1 - (jf + dhf + jnp.float32(r1))
                        acc_n = acc_n + mf
                        acc_f = acc_f + fv * mf
                        acc_0 = acc_0 + nl0 * mf
                        acc_1 = acc_1 + nl1 * mf
                ob = pl.ds(rd * _NT + base, 16)
                cnt_b[ob] = jnp.minimum(acc_n, 1.0).astype(jnp.int32)
                fo_b[ob] = acc_f
                lo0_b[ob] = acc_0
                lo1_b[ob] = acc_1
                return c3

            def slow(_):
                lax.fori_loop(0, 64, full_chunk, 0)
                return 0

            def noop(_):
                return 0

            lax.cond(anyflag, slow, noop, 0)
            return c2
        lax.fori_loop(0, _BAND, row_body, 0)

        out_off = pl.multiple_of(bs * _NT, 128)
        pltpu.sync_copy(cnt_b, no_hbm.at[pl.ds(out_off, _BLEN)])
        pltpu.sync_copy(fo_b, fo_hbm.at[pl.ds(out_off, _BLEN)])
        pltpu.sync_copy(lo0_b, lo0_hbm.at[pl.ds(out_off, _BLEN)])
        pltpu.sync_copy(lo1_b, lo1_hbm.at[pl.ds(out_off, _BLEN)])
        return carry
    lax.fori_loop(0, _NB, band_body, 0)


def kernel(images, psf_params, n_sources, locs, fluxes, vertical_shift,
           horizontal_shift):
    v = jnp.asarray(vertical_shift, jnp.int32)
    h = jnp.asarray(horizontal_shift, jnp.int32)
    sh = jnp.stack([v, h])

    img = pl.pallas_call(
        _img_body,
        out_shape=jax.ShapeDtypeStruct((_C, _H, _W), jnp.float32),
        in_specs=[pl.BlockSpec(memory_space=pltpu.SMEM),
                  pl.BlockSpec((_C, _H, _W), lambda: (0, 0, 0))],
        out_specs=pl.BlockSpec((_C, _H, _W), lambda: (0, 0, 0)),
    )(sh, images)

    sh16 = jnp.zeros((16,), jnp.int32).at[0].set(v).at[1].set(h)
    mesh = plsc.VectorSubcoreMesh(core_axis_name="c", subcore_axis_name="s")
    fvec = jax.ShapeDtypeStruct((_NT * _NT,), jnp.float32)
    sc_cat = functools.partial(
        pl.kernel,
        mesh=mesh,
        out_type=(jax.ShapeDtypeStruct((_NT * _NT,), jnp.int32),
                  fvec, fvec, fvec),
        scratch_types=[
            pltpu.VMEM((16,), jnp.int32),
            pltpu.VMEM((_WLEN + 2 * _PAD,), jnp.int32),
            pltpu.VMEM((_WLEN + 2 * _PAD,), jnp.float32),
            pltpu.VMEM((_WLEN + 2 * _PAD,), jnp.float32),
            pltpu.VMEM((_WLEN + 2 * _PAD,), jnp.float32),
            pltpu.VMEM((_BLEN,), jnp.int32),
            pltpu.VMEM((_BLEN,), jnp.float32),
            pltpu.VMEM((_BLEN,), jnp.float32),
            pltpu.VMEM((_BLEN,), jnp.float32),
        ],
    )(_sc_cat)
    n_out, lo0, lo1, f_out = sc_cat(
        sh16, n_sources.reshape(-1), locs[:, :, 0, 0].reshape(-1),
        locs[:, :, 0, 1].reshape(-1), fluxes.reshape(-1))

    locs_out = jnp.stack([lo0.reshape(_NT, _NT), lo1.reshape(_NT, _NT)],
                         axis=-1).reshape(_NT, _NT, 1, 2)
    return (img, psf_params, locs_out,
            f_out.reshape(_NT, _NT, 1, 1), n_out.reshape(_NT, _NT))

# --- scband reference (transcript-rebuilt; emitter-appended) ---
"""Pipeline reference for scband-half-pixel-random-shift-transform-78030965834009 (READ-ONLY COPY).

The authoritative reference and input builder live on the scoring server;
editing this copy changes nothing except your own understanding.
"""

import jax, jax.numpy as jnp
import numpy as np

TILE_SLEN = 0.5
MAX_SOURCES_PER_TILE = 1
C, H, W = 5, 512, 512
NTH, NTW = int(H / TILE_SLEN), int(W / TILE_SLEN)
M = 1


def setup_inputs(seed: int = 0):
    key = jax.random.key(seed)
    k1, k2, k3, k4, k5 = jax.random.split(key, 5)
    images = jax.random.normal(k1, (C, H, W), dtype=jnp.float32)
    psf_params = jax.random.normal(k2, (C, 6), dtype=jnp.float32)
    n_sources = jax.random.randint(k3, (NTH, NTW), 0, 2, dtype=jnp.int32)
    locs = jax.random.uniform(k4, (NTH, NTW, M, 2), dtype=jnp.float32)
    fluxes = jax.random.uniform(k5, (NTH, NTW, M, 1), dtype=jnp.float32)
    return {"images": images, "psf_params": psf_params, "n_sources": n_sources,
            "locs": locs, "fluxes": fluxes, "vertical_shift": 1, "horizontal_shift": 2}


def _transform(images, psf_params, locs, fluxes, n_sources, vertical_shift, horizontal_shift):
    nth, ntw, m, _ = locs.shape
    # image roll (half-pixel tiles, integer-pixel image shift)
    img = jnp.roll(images, vertical_shift, axis=1)
    img = jnp.roll(img, horizontal_shift, axis=2)
    # TileCatalog.to_full_catalog: plocs = (tile_coord + within-tile loc) * tile_slen
    gi, gj = jnp.meshgrid(jnp.arange(nth), jnp.arange(ntw), indexing="ij")
    tile_coords = jnp.stack([gi, gj], axis=-1).astype(jnp.float32)[:, :, None, :]
    plocs = (tile_coords + locs) * TILE_SLEN
    # shift plocs in full-catalog space
    shift_vec = jnp.stack([vertical_shift, horizontal_shift]).astype(jnp.float32)
    plocs = plocs + shift_vec
    is_on = jnp.arange(m)[None, None, :] < n_sources[:, :, None]
    # FullCatalog.to_tile_catalog(filter_oob=True)
    flat_plocs = plocs.reshape(-1, 2)
    flat_on = is_on.reshape(-1)
    flat_fluxes = fluxes.reshape(-1, fluxes.shape[-1])
    t = jnp.floor(flat_plocs / TILE_SLEN).astype(jnp.int32)
    in_b = (t[:, 0] >= 0) & (t[:, 0] < nth) & (t[:, 1] >= 0) & (t[:, 1] < ntw)
    valid = flat_on & in_b
    new_locs = flat_plocs / TILE_SLEN - t.astype(jnp.float32)
    idx = jnp.where(valid, t[:, 0] * ntw + t[:, 1], nth * ntw)  # invalid -> overflow slot
    n_out = jnp.zeros(nth * ntw + 1, jnp.int32).at[idx].add(1)[:-1]
    n_out = jnp.minimum(n_out, MAX_SOURCES_PER_TILE).reshape(nth, ntw)
    locs_out = jnp.zeros((nth * ntw + 1, 2), jnp.float32).at[idx].add(
        jnp.where(valid[:, None], new_locs, 0.0))[:-1].reshape(nth, ntw, MAX_SOURCES_PER_TILE, 2)
    fluxes_out = jnp.zeros((nth * ntw + 1, fluxes.shape[-1]), jnp.float32).at[idx].add(
        jnp.where(valid[:, None], flat_fluxes, 0.0))[:-1].reshape(nth, ntw, MAX_SOURCES_PER_TILE, fluxes.shape[-1])
    return img, psf_params, locs_out, fluxes_out, n_out


def reference(images, psf_params, n_sources, locs, fluxes, vertical_shift, horizontal_shift):
    return _transform(images, psf_params, locs, fluxes, n_sources, vertical_shift, horizontal_shift)

if __name__ == "__main__":
    import jax
    _d = setup_inputs()
    print(jax.jit(kernel)(*tuple(_d.values())))

</pallas_src>

<mosaic_0001>
#map = affine_map<(d0, d1) -> (0)>
module attributes {stable_mosaic.version = 14 : i64} {
  func.func @_sc_cat(%arg0: i32, %arg1: i32, %arg2: memref<16xi32, #tpu.memory_space<hbm>>, %arg3: memref<1048576xi32, #tpu.memory_space<hbm>>, %arg4: memref<1048576xf32, #tpu.memory_space<hbm>>, %arg5: memref<1048576xf32, #tpu.memory_space<hbm>>, %arg6: memref<1048576xf32, #tpu.memory_space<hbm>>, %arg7: memref<1048576xi32, #tpu.memory_space<hbm>>, %arg8: memref<1048576xf32, #tpu.memory_space<hbm>>, %arg9: memref<1048576xf32, #tpu.memory_space<hbm>>, %arg10: memref<1048576xf32, #tpu.memory_space<hbm>>, %arg11: memref<16xi32, #tpu.memory_space<vmem>>, %arg12: memref<9248xi32, #tpu.memory_space<vmem>>, %arg13: memref<9248xf32, #tpu.memory_space<vmem>>, %arg14: memref<9248xf32, #tpu.memory_space<vmem>>, %arg15: memref<9248xf32, #tpu.memory_space<vmem>>, %arg16: memref<8192xi32, #tpu.memory_space<vmem>>, %arg17: memref<8192xf32, #tpu.memory_space<vmem>>, %arg18: memref<8192xf32, #tpu.memory_space<vmem>>, %arg19: memref<8192xf32, #tpu.memory_space<vmem>>) attributes {dimension_semantics = [#tpu.dimension_semantics<core_parallel>, #tpu.dimension_semantics<subcore_parallel>], iteration_bounds = array<i64: 2, 16>, scalar_prefetch = 0 : i64, scratch_operands = 9 : i64, tpu.core_type = #tpu.core_type<sc_vector_subcore>, window_params = [{transform_indices = #map}, {transform_indices = #map}, {transform_indices = #map}, {transform_indices = #map}, {transform_indices = #map}, {transform_indices = #map}, {transform_indices = #map}, {transform_indices = #map}, {transform_indices = #map}]} {
    %mul3A = arith.constant 2 : i32
    %mul3A_0 = arith.muli %arg1, %mul3A : i32
    %add3A = arith.addi %mul3A_0, %arg0 : i32
    "tpu.region"() ({
      %run_scoped3A = tpu.sem_alloc : memref<!tpu.dma_semaphore, #tpu.memory_space<semaphore_mem>>
      tpu.enqueue_dma source(%arg2 : memref<16xi32, #tpu.memory_space<hbm>>) target(%arg11 : memref<16xi32, #tpu.memory_space<vmem>>) target_semaphore(%run_scoped3A : memref<!tpu.dma_semaphore, #tpu.memory_space<semaphore_mem>>)
      tpu.wait_dma2 semaphore(%run_scoped3A : memref<!tpu.dma_semaphore, #tpu.memory_space<semaphore_mem>>) src(%arg2 : memref<16xi32, #tpu.memory_space<hbm>>) dst(%arg11 : memref<16xi32, #tpu.memory_space<vmem>>)
      tpu.yield
    }) : () -> ()
    %get3A = arith.constant 0 : index
    %get3A_1 = tpu.vector_load %arg11[%get3A] {strides = array<i32>} : memref<16xi32, #tpu.memory_space<vmem>>, vector<16xi32>,
    %get3A_2 = vector.shape_cast %get3A_1 : vector<16xi32> to vector<16xi32>
    %slice3A = vector.extract_strided_slice %get3A_2 {offsets = [0], sizes = [1], strides = [1]} : vector<16xi32> to vector<1xi32>
    %squeeze3A = vector.extract %slice3A[0] : i32 from vector<1xi32>
    %slice3A_3 = vector.extract_strided_slice %get3A_2 {offsets = [1], sizes = [1], strides = [1]} : vector<16xi32> to vector<1xi32>
    %squeeze3A_4 = vector.extract %slice3A_3[0] : i32 from vector<1xi32>
    %mul3A_5 = arith.constant 2 : i32
    %mul3A_6 = arith.muli %mul3A_5, %squeeze3A : i32
    %mul3A_7 = arith.constant 2 : i32
    %mul3A_8 = arith.muli %mul3A_7, %squeeze3A_4 : i32
    %convert_element_type3A = arith.sitofp %squeeze3A : i32 to f32
    %convert_element_type3A_9 = arith.sitofp %squeeze3A_4 : i32 to f32
    %mul3A_10 = arith.constant 2.000000e+00 : f32
    %mul3A_11 = arith.mulf %convert_element_type3A, %mul3A_10 : f32
    %mul3A_12 = arith.constant 2.000000e+00 : f32
    %mul3A_13 = arith.mulf %convert_element_type3A_9, %mul3A_12 : f32
    %iota3A = tpu.iota {dimensions = array<i32: 0>} : vector<16xi32>
    %broadcast_in_dim3A = arith.constant 0.000000e+00 : f32
    %broadcast_in_dim3A_14 = vector.broadcast %broadcast_in_dim3A : f32 to vector<16xf32>
    %scan3A = arith.constant 0 : i32
    %scan3A_15 = arith.constant 0 : i32
    %scan3A_16 = arith.constant 4 : i32
    %scan3A_17 = arith.addi %scan3A_15, %scan3A_16 : i32
    %scan3A_18 = arith.constant 1 : i32
    scf.for %scan3A_20 = %scan3A_15 to %scan3A_17 step %scan3A_18  : i32 {
      %mul3A_21 = arith.constant 32 : i32
      %mul3A_22 = arith.muli %add3A, %mul3A_21 : i32
      %mul3A_23 = arith.constant 8 : i32
      %mul3A_24 = arith.muli %scan3A_20, %mul3A_23 : i32
      %add3A_25 = arith.addi %mul3A_22, %mul3A_24 : i32
      %sub3A = arith.subi %add3A_25, %mul3A_6 : i32
      %sub3A_26 = arith.constant 1 : i32
      %sub3A_27 = arith.subi %sub3A, %sub3A_26 : i32
      %jit3A = arith.constant 0 : i32
      %jit3A_28 = arith.constant 1015 : i32
      %max3A = arith.maxsi %jit3A, %sub3A_27 : i32
      %min3A = arith.minsi %jit3A_28, %max3A : i32
      %mul3A_29 = arith.constant 1024 : i32
      %mul3A_30 = arith.muli %min3A, %mul3A_29 : i32
      %multiple_of3A = tpu.assume_multiple %mul3A_30, 128 : i32
      "tpu.region"() ({
        %run_scoped3A = tpu.sem_alloc : memref<!tpu.dma_semaphore, #tpu.memory_space<semaphore_mem>>
        %dma_start3A = arith.constant 16 : i32
        %dma_start3A_40 = tpu.memref_slice %arg12[%dma_start3A] : memref<9248xi32, #tpu.memory_space<vmem>> -> memref<9216xi32, #tpu.memory_space<vmem>>
        %dma_start3A_41 = tpu.memref_slice %arg3[%multiple_of3A] : memref<1048576xi32, #tpu.memory_space<hbm>> -> memref<9216xi32, #tpu.memory_space<hbm>>
        %dma_start3A_42 = arith.constant 16 : i32
        %dma_start3A_43 = tpu.memref_slice %arg12[%dma_start3A_42] : memref<9248xi32, #tpu.memory_space<vmem>> -> memref<9216xi32, #tpu.memory_space<vmem>>
        %dma_start3A_44 = tpu.memref_slice %arg3[%multiple_of3A] : memref<1048576xi32, #tpu.memory_space<hbm>> -> memref<9216xi32, #tpu.memory_space<hbm>>
        tpu.enqueue_dma source(%dma_start3A_44 : memref<9216xi32, #tpu.memory_space<hbm>>) target(%dma_start3A_43 : memref<9216xi32, #tpu.memory_space<vmem>>) target_semaphore(%run_scoped3A : memref<!tpu.dma_semaphore, #tpu.memory_space<semaphore_mem>>)
        %dma_wait3A = arith.constant 16 : i32
        %dma_wait3A_45 = tpu.memref_slice %arg12[%dma_wait3A] : memref<9248xi32, #tpu.memory_space<vmem>> -> memref<9216xi32, #tpu.memory_space<vmem>>
        %dma_wait3A_46 = tpu.memref_slice %arg3[%multiple_of3A] : memref<1048576xi32, #tpu.memory_space<hbm>> -> memref<9216xi32, #tpu.memory_space<hbm>>
        %dma_wait3A_47 = arith.constant 16 : i32
        %dma_wait3A_48 = tpu.memref_slice %arg12[%dma_wait3A_47] : memref<9248xi32, #tpu.memory_space<vmem>> -> memref<9216xi32, #tpu.memory_space<vmem>>
        %dma_wait3A_49 = tpu.memref_slice %arg3[%multiple_of3A] : memref<1048576xi32, #tpu.memory_space<hbm>> -> memref<9216xi32, #tpu.memory_space<hbm>>
        tpu.wait_dma2 semaphore(%run_scoped3A : memref<!tpu.dma_semaphore, #tpu.memory_space<semaphore_mem>>) src(%dma_wait3A_49 : memref<9216xi32, #tpu.memory_space<hbm>>) dst(%dma_wait3A_48 : memref<9216xi32, #tpu.memory_space<vmem>>)
        tpu.yield
      }) : () -> ()
      "tpu.region"() ({
        %run_scoped3A = tpu.sem_alloc : memref<!tpu.dma_semaphore, #tpu.memory_space<semaphore_mem>>
        %dma_start3A = arith.constant 16 : i32
        %dma_start3A_40 = tpu.memref_slice %arg13[%dma_start3A] : memref<9248xf32, #tpu.memory_space<vmem>> -> memref<9216xf32, #tpu.memory_space<vmem>>
        %dma_start3A_41 = tpu.memref_slice %arg4[%multiple_of3A] : memref<1048576xf32, #tpu.memory_space<hbm>> -> memref<9216xf32, #tpu.memory_space<hbm>>
        %dma_start3A_42 = arith.constant 16 : i32
        %dma_start3A_43 = tpu.memref_slice %arg13[%dma_start3A_42] : memref<9248xf32, #tpu.memory_space<vmem>> -> memref<9216xf32, #tpu.memory_space<vmem>>
        %dma_start3A_44 = tpu.memref_slice %arg4[%multiple_of3A] : memref<1048576xf32, #tpu.memory_space<hbm>> -> memref<9216xf32, #tpu.memory_space<hbm>>
        tpu.enqueue_dma source(%dma_start3A_44 : memref<9216xf32, #tpu.memory_space<hbm>>) target(%dma_start3A_43 : memref<9216xf32, #tpu.memory_space<vmem>>) target_semaphore(%run_scoped3A : memref<!tpu.dma_semaphore, #tpu.memory_space<semaphore_mem>>)
        %dma_wait3A = arith.constant 16 : i32
        %dma_wait3A_45 = tpu.memref_slice %arg13[%dma_wait3A] : memref<9248xf32, #tpu.memory_space<vmem>> -> memref<9216xf32, #tpu.memory_space<vmem>>
        %dma_wait3A_46 = tpu.memref_slice %arg4[%multiple_of3A] : memref<1048576xf32, #tpu.memory_space<hbm>> -> memref<9216xf32, #tpu.memory_space<hbm>>
        %dma_wait3A_47 = arith.constant 16 : i32
        %dma_wait3A_48 = tpu.memref_slice %arg13[%dma_wait3A_47] : memref<9248xf32, #tpu.memory_space<vmem>> -> memref<9216xf32, #tpu.memory_space<vmem>>
        %dma_wait3A_49 = tpu.memref_slice %arg4[%multiple_of3A] : memref<1048576xf32, #tpu.memory_space<hbm>> -> memref<9216xf32, #tpu.memory_space<hbm>>
        tpu.wait_dma2 semaphore(%run_scoped3A : memref<!tpu.dma_semaphore, #tpu.memory_space<semaphore_mem>>) src(%dma_wait3A_49 : memref<9216xf32, #tpu.memory_space<hbm>>) dst(%dma_wait3A_48 : memref<9216xf32, #tpu.memory_space<vmem>>)
        tpu.yield
      }) : () -> ()
      "tpu.region"() ({
        %run_scoped3A = tpu.sem_alloc : memref<!tpu.dma_semaphore, #tpu.memory_space<semaphore_mem>>
        %dma_start3A = arith.constant 16 : i32
        %dma_start3A_40 = tpu.memref_slice %arg14[%dma_start3A] : memref<9248xf32, #tpu.memory_space<vmem>> -> memref<9216xf32, #tpu.memory_space<vmem>>
        %dma_start3A_41 = tpu.memref_slice %arg5[%multiple_of3A] : memref<1048576xf32, #tpu.memory_space<hbm>> -> memref<9216xf32, #tpu.memory_space<hbm>>
        %dma_start3A_42 = arith.constant 16 : i32
        %dma_start3A_43 = tpu.memref_slice %arg14[%dma_start3A_42] : memref<9248xf32, #tpu.memory_space<vmem>> -> memref<9216xf32, #tpu.memory_space<vmem>>
        %dma_start3A_44 = tpu.memref_slice %arg5[%multiple_of3A] : memref<1048576xf32, #tpu.memory_space<hbm>> -> memref<9216xf32, #tpu.memory_space<hbm>>
        tpu.enqueue_dma source(%dma_start3A_44 : memref<9216xf32, #tpu.memory_space<hbm>>) target(%dma_start3A_43 : memref<9216xf32, #tpu.memory_space<vmem>>) target_semaphore(%run_scoped3A : memref<!tpu.dma_semaphore, #tpu.memory_space<semaphore_mem>>)
        %dma_wait3A = arith.constant 16 : i32
        %dma_wait3A_45 = tpu.memref_slice %arg14[%dma_wait3A] : memref<9248xf32, #tpu.memory_space<vmem>> -> memref<9216xf32, #tpu.memory_space<vmem>>
        %dma_wait3A_46 = tpu.memref_slice %arg5[%multiple_of3A] : memref<1048576xf32, #tpu.memory_space<hbm>> -> memref<9216xf32, #tpu.memory_space<hbm>>
        %dma_wait3A_47 = arith.constant 16 : i32
        %dma_wait3A_48 = tpu.memref_slice %arg14[%dma_wait3A_47] : memref<9248xf32, #tpu.memory_space<vmem>> -> memref<9216xf32, #tpu.memory_space<vmem>>
        %dma_wait3A_49 = tpu.memref_slice %arg5[%multiple_of3A] : memref<1048576xf32, #tpu.memory_space<hbm>> -> memref<9216xf32, #tpu.memory_space<hbm>>
        tpu.wait_dma2 semaphore(%run_scoped3A : memref<!tpu.dma_semaphore, #tpu.memory_space<semaphore_mem>>) src(%dma_wait3A_49 : memref<9216xf32, #tpu.memory_space<hbm>>) dst(%dma_wait3A_48 : memref<9216xf32, #tpu.memory_space<vmem>>)
        tpu.yield
      }) : () -> ()
      "tpu.region"() ({
        %run_scoped3A = tpu.sem_alloc : memref<!tpu.dma_semaphore, #tpu.memory_space<semaphore_mem>>
        %dma_start3A = arith.constant 16 : i32
        %dma_start3A_40 = tpu.memref_slice %arg15[%dma_start3A] : memref<9248xf32, #tpu.memory_space<vmem>> -> memref<9216xf32, #tpu.memory_space<vmem>>
        %dma_start3A_41 = tpu.memref_slice %arg6[%multiple_of3A] : memref<1048576xf32, #tpu.memory_space<hbm>> -> memref<9216xf32, #tpu.memory_space<hbm>>
        %dma_start3A_42 = arith.constant 16 : i32
        %dma_start3A_43 = tpu.memref_slice %arg15[%dma_start3A_42] : memref<9248xf32, #tpu.memory_space<vmem>> -> memref<9216xf32, #tpu.memory_space<vmem>>
        %dma_start3A_44 = tpu.memref_slice %arg6[%multiple_of3A] : memref<1048576xf32, #tpu.memory_space<hbm>> -> memref<9216xf32, #tpu.memory_space<hbm>>
        tpu.enqueue_dma source(%dma_start3A_44 : memref<9216xf32, #tpu.memory_space<hbm>>) target(%dma_start3A_43 : memref<9216xf32, #tpu.memory_space<vmem>>) target_semaphore(%run_scoped3A : memref<!tpu.dma_semaphore, #tpu.memory_space<semaphore_mem>>)
        %dma_wait3A = arith.constant 16 : i32
        %dma_wait3A_45 = tpu.memref_slice %arg15[%dma_wait3A] : memref<9248xf32, #tpu.memory_space<vmem>> -> memref<9216xf32, #tpu.memory_space<vmem>>
        %dma_wait3A_46 = tpu.memref_slice %arg6[%multiple_of3A] : memref<1048576xf32, #tpu.memory_space<hbm>> -> memref<9216xf32, #tpu.memory_space<hbm>>
        %dma_wait3A_47 = arith.constant 16 : i32
        %dma_wait3A_48 = tpu.memref_slice %arg15[%dma_wait3A_47] : memref<9248xf32, #tpu.memory_space<vmem>> -> memref<9216xf32, #tpu.memory_space<vmem>>
        %dma_wait3A_49 = tpu.memref_slice %arg6[%multiple_of3A] : memref<1048576xf32, #tpu.memory_space<hbm>> -> memref<9216xf32, #tpu.memory_space<hbm>>
        tpu.wait_dma2 semaphore(%run_scoped3A : memref<!tpu.dma_semaphore, #tpu.memory_space<semaphore_mem>>) src(%dma_wait3A_49 : memref<9216xf32, #tpu.memory_space<hbm>>) dst(%dma_wait3A_48 : memref<9216xf32, #tpu.memory_space<vmem>>)
        tpu.yield
      }) : () -> ()
      %scan3A_31 = arith.constant 0 : i32
      %scan3A_32 = arith.constant 0 : i32
      %scan3A_33 = arith.constant 8 : i32
      %scan3A_34 = arith.addi %scan3A_32, %scan3A_33 : i32
      %scan3A_35 = arith.constant 1 : i32
      scf.for %scan3A_40 = %scan3A_32 to %scan3A_34 step %scan3A_35  : i32 {
        %add3A_41 = arith.addi %add3A_25, %scan3A_40 : i32
        %sub3A_42 = arith.subi %add3A_41, %mul3A_6 : i32
        %sub3A_43 = arith.subi %add3A_41, %mul3A_6 : i32
        %sub3A_44 = arith.constant 1 : i32
        %sub3A_45 = arith.subi %sub3A_43, %sub3A_44 : i32
        %sub3A_46 = arith.subi %sub3A_42, %min3A : i32
        %sub3A_47 = arith.subi %sub3A_45, %min3A : i32
        %convert_element_type3A_48 = arith.sitofp %sub3A_42 : i32 to f32
        %convert_element_type3A_49 = arith.sitofp %sub3A_45 : i32 to f32
        %mul3A_50 = arith.constant 1024 : i32
        %mul3A_51 = arith.muli %sub3A_47, %mul3A_50 : i32
        %add3A_52 = arith.constant 16 : i32
        %add3A_53 = arith.addi %mul3A_51, %add3A_52 : i32
        %ge3A = arith.constant 0 : i32
        %ge3A_54 = arith.cmpi sge, %sub3A_42, %ge3A : i32
        %lt3A = arith.constant 1024 : i32
        %lt3A_55 = arith.cmpi slt, %sub3A_42, %lt3A : i32
        %and3A = arith.andi %ge3A_54, %lt3A_55 : i1
        %ge3A_56 = arith.constant 0 : i32
        %ge3A_57 = arith.cmpi sge, %sub3A_46, %ge3A_56 : i32
        %and3A_58 = arith.andi %and3A, %ge3A_57 : i1
        %lt3A_59 = arith.constant 9 : i32
        %lt3A_60 = arith.cmpi slt, %sub3A_46, %lt3A_59 : i32
        %and3A_61 = arith.andi %and3A_58, %lt3A_60 : i1
        %jit3A_62 = arith.constant 1.000000e+00 : f32
        %jit3A_63 = arith.constant 0.000000e+00 : f32
        %select_n3A = arith.select %and3A_61, %jit3A_62, %jit3A_63 : f32
        %scan3A_64 = arith.constant 0 : i32
        %scan3A_65 = arith.constant 64 : i32
        %scan3A_66 = arith.addi %scan3A_64, %scan3A_65 : i32
        %scan3A_67 = arith.constant 1 : i32
        %scan3A_68 = scf.for %scan3A_122 = %scan3A_64 to %scan3A_66 step %scan3A_67 iter_args(%scan3A_123 = %broadcast_in_dim3A_14) -> (vector<16xf32>)  : i32 {
          %mul3A_124 = arith.constant 16 : i32
          %mul3A_125 = arith.muli %scan3A_122, %mul3A_124 : i32
          %add3A_126 = vector.broadcast %mul3A_125 : i32 to vector<16xi32>
          %add3A_127 = arith.addi %add3A_126, %iota3A : vector<16xi32>
          %mul3A_128 = arith.constant 1024 : i32
          %mul3A_129 = arith.muli %sub3A_46, %mul3A_128 : i32
          %add3A_130 = arith.addi %mul3A_129, %mul3A_125 : i32
          %sub3A_131 = arith.subi %add3A_130, %mul3A_8 : i32
          %add3A_132 = arith.constant 16 : i32
          %add3A_133 = arith.addi %sub3A_131, %add3A_132 : i32
          %jit3A_134 = arith.constant 0 : i32
          %jit3A_135 = arith.constant 9216 : i32
          %max3A_136 = arith.maxsi %jit3A_134, %add3A_133 : i32
          %min3A_137 = arith.minsi %jit3A_135, %max3A_136 : i32
          %add3A_138 = arith.addi %add3A_53, %mul3A_125 : i32
          %sub3A_139 = arith.subi %add3A_138, %mul3A_8 : i32
          %jit3A_140 = arith.constant 0 : i32
          %jit3A_141 = arith.constant 9216 : i32
          %max3A_142 = arith.maxsi %jit3A_140, %sub3A_139 : i32
          %min3A_143 = arith.minsi %jit3A_141, %max3A_142 : i32
          %sub3A_144 = vector.broadcast %mul3A_8 : i32 to vector<16xi32>
          %sub3A_145 = arith.subi %add3A_127, %sub3A_144 : vector<16xi32>
          %get3A_146 = arith.index_cast %min3A_137 : i32 to index
          %get3A_147 = tpu.vector_load %arg12[%get3A_146] {strides = array<i32>} : memref<9248xi32, #tpu.memory_space<vmem>>, vector<16xi32>,
          %get3A_148 = vector.shape_cast %get3A_147 : vector<16xi32> to vector<16xi32>
          %get3A_149 = arith.index_cast %min3A_137 : i32 to index
          %get3A_150 = tpu.vector_load %arg15[%get3A_149] {strides = array<i32>} : memref<9248xf32, #tpu.memory_space<vmem>>, vector<16xf32>,
          %get3A_151 = vector.shape_cast %get3A_150 : vector<16xf32> to vector<16xf32>
          %get3A_152 = arith.index_cast %min3A_137 : i32 to index
          %get3A_153 = tpu.vector_load %arg13[%get3A_152] {strides = array<i32>} : memref<9248xf32, #tpu.memory_space<vmem>>, vector<16xf32>,
          %get3A_154 = vector.shape_cast %get3A_153 : vector<16xf32> to vector<16xf32>
          %get3A_155 = arith.index_cast %min3A_137 : i32 to index
          %get3A_156 = tpu.vector_load %arg14[%get3A_155] {strides = array<i32>} : memref<9248xf32, #tpu.memory_space<vmem>>, vector<16xf32>,
          %get3A_157 = vector.shape_cast %get3A_156 : vector<16xf32> to vector<16xf32>
          %get3A_158 = arith.index_cast %min3A_143 : i32 to index
          %get3A_159 = tpu.vector_load %arg13[%get3A_158] {strides = array<i32>} : memref<9248xf32, #tpu.memory_space<vmem>>, vector<16xf32>,
          %get3A_160 = vector.shape_cast %get3A_159 : vector<16xf32> to vector<16xf32>
          %convert_element_type3A_161 = arith.sitofp %sub3A_145 : vector<16xi32> to vector<16xf32>
          %add3A_162 = vector.broadcast %convert_element_type3A_48 : f32 to vector<16xf32>
          %add3A_163 = arith.addf %add3A_162, %get3A_154 : vector<16xf32>
          %mul3A_164 = arith.constant 5.000000e-01 : f32
          %mul3A_165 = vector.broadcast %mul3A_164 : f32 to vector<16xf32>
          %mul3A_166 = arith.mulf %add3A_163, %mul3A_165 : vector<16xf32>
          %add3A_167 = vector.broadcast %convert_element_type3A : f32 to vector<16xf32>
          %add3A_168 = arith.addf %mul3A_166, %add3A_167 : vector<16xf32>
          %mul3A_169 = arith.constant 2.000000e+00 : f32
          %mul3A_170 = vector.broadcast %mul3A_169 : f32 to vector<16xf32>
          %mul3A_171 = arith.mulf %add3A_168, %mul3A_170 : vector<16xf32>
          %add3A_172 = arith.addf %convert_element_type3A_161, %get3A_157 : vector<16xf32>
          %mul3A_173 = arith.constant 5.000000e-01 : f32
          %mul3A_174 = vector.broadcast %mul3A_173 : f32 to vector<16xf32>
          %mul3A_175 = arith.mulf %add3A_172, %mul3A_174 : vector<16xf32>
          %add3A_176 = vector.broadcast %convert_element_type3A_9 : f32 to vector<16xf32>
          %add3A_177 = arith.addf %mul3A_175, %add3A_176 : vector<16xf32>
          %mul3A_178 = arith.constant 2.000000e+00 : f32
          %mul3A_179 = vector.broadcast %mul3A_178 : f32 to vector<16xf32>
          %mul3A_180 = arith.mulf %add3A_177, %mul3A_179 : vector<16xf32>
          %add3A_181 = vector.broadcast %convert_element_type3A_49 : f32 to vector<16xf32>
          %add3A_182 = arith.addf %add3A_181, %get3A_160 : vector<16xf32>
          %mul3A_183 = arith.constant 5.000000e-01 : f32
          %mul3A_184 = vector.broadcast %mul3A_183 : f32 to vector<16xf32>
          %mul3A_185 = arith.mulf %add3A_182, %mul3A_184 : vector<16xf32>
          %add3A_186 = vector.broadcast %convert_element_type3A : f32 to vector<16xf32>
          %add3A_187 = arith.addf %mul3A_185, %add3A_186 : vector<16xf32>
          %mul3A_188 = arith.constant 2.000000e+00 : f32
          %mul3A_189 = vector.broadcast %mul3A_188 : f32 to vector<16xf32>
          %mul3A_190 = arith.mulf %add3A_187, %mul3A_189 : vector<16xf32>
          %add3A_191 = arith.addf %convert_element_type3A_48, %mul3A_11 : f32
          %add3A_192 = arith.constant 1.000000e+00 : f32
          %add3A_193 = arith.addf %add3A_191, %add3A_192 : f32
          %ge3A_194 = vector.broadcast %add3A_193 : f32 to vector<16xf32>
          %ge3A_195 = arith.cmpf oge, %mul3A_171, %ge3A_194 : vector<16xf32>
          %jit3A_196 = arith.constant 1.000000e+00 : f32
          %jit3A_197 = arith.constant 0.000000e+00 : f32
          %broadcast_in_dim3A_198 = vector.broadcast %jit3A_196 : f32 to vector<16xf32>
          %broadcast_in_dim3A_199 = vector.broadcast %jit3A_197 : f32 to vector<16xf32>
          %select_n3A_200 = arith.select %ge3A_195, %broadcast_in_dim3A_198, %broadcast_in_dim3A_199 : vector<16xi1>, vector<16xf32>
          %add3A_201 = vector.broadcast %mul3A_13 : f32 to vector<16xf32>
          %add3A_202 = arith.addf %convert_element_type3A_161, %add3A_201 : vector<16xf32>
          %add3A_203 = arith.constant 1.000000e+00 : f32
          %add3A_204 = vector.broadcast %add3A_203 : f32 to vector<16xf32>
          %add3A_205 = arith.addf %add3A_202, %add3A_204 : vector<16xf32>
          %ge3A_206 = arith.cmpf oge, %mul3A_180, %add3A_205 : vector<16xf32>
          %jit3A_207 = arith.constant 1.000000e+00 : f32
          %jit3A_208 = arith.constant 0.000000e+00 : f32
          %broadcast_in_dim3A_209 = vector.broadcast %jit3A_207 : f32 to vector<16xf32>
          %broadcast_in_dim3A_210 = vector.broadcast %jit3A_208 : f32 to vector<16xf32>
          %select_n3A_211 = arith.select %ge3A_206, %broadcast_in_dim3A_209, %broadcast_in_dim3A_210 : vector<16xi1>, vector<16xf32>
          %add3A_212 = arith.addf %convert_element_type3A_49, %mul3A_11 : f32
          %add3A_213 = arith.constant 1.000000e+00 : f32
          %add3A_214 = arith.addf %add3A_212, %add3A_213 : f32
          %ge3A_215 = vector.broadcast %add3A_214 : f32 to vector<16xf32>
          %ge3A_216 = arith.cmpf oge, %mul3A_190, %ge3A_215 : vector<16xf32>
          %jit3A_217 = arith.constant 1.000000e+00 : f32
          %jit3A_218 = arith.constant 0.000000e+00 : f32
          %broadcast_in_dim3A_219 = vector.broadcast %jit3A_217 : f32 to vector<16xf32>
          %broadcast_in_dim3A_220 = vector.broadcast %jit3A_218 : f32 to vector<16xf32>
          %select_n3A_221 = arith.select %ge3A_216, %broadcast_in_dim3A_219, %broadcast_in_dim3A_220 : vector<16xi1>, vector<16xf32>
          %ge3A_222 = arith.constant 0 : i32
          %ge3A_223 = vector.broadcast %ge3A_222 : i32 to vector<16xi32>
          %ge3A_224 = arith.cmpi sge, %sub3A_145, %ge3A_223 : vector<16xi32>
          %lt3A_225 = arith.constant 1024 : i32
          %lt3A_226 = vector.broadcast %lt3A_225 : i32 to vector<16xi32>
          %lt3A_227 = arith.cmpi slt, %sub3A_145, %lt3A_226 : vector<16xi32>
          %and3A_228 = arith.andi %ge3A_224, %lt3A_227 : vector<16xi1>
          %jit3A_229 = arith.constant 1.000000e+00 : f32
          %jit3A_230 = arith.constant 0.000000e+00 : f32
          %broadcast_in_dim3A_231 = vector.broadcast %jit3A_229 : f32 to vector<16xf32>
          %broadcast_in_dim3A_232 = vector.broadcast %jit3A_230 : f32 to vector<16xf32>
          %select_n3A_233 = arith.select %and3A_228, %broadcast_in_dim3A_231, %broadcast_in_dim3A_232 : vector<16xi1>, vector<16xf32>
          %gt3A_234 = arith.constant 0 : i32
          %gt3A_235 = vector.broadcast %gt3A_234 : i32 to vector<16xi32>
          %gt3A_236 = arith.cmpi sgt, %get3A_148, %gt3A_235 : vector<16xi32>
          %jit3A_237 = arith.constant 1.000000e+00 : f32
          %jit3A_238 = arith.constant 0.000000e+00 : f32
          %broadcast_in_dim3A_239 = vector.broadcast %jit3A_237 : f32 to vector<16xf32>
          %broadcast_in_dim3A_240 = vector.broadcast %jit3A_238 : f32 to vector<16xf32>
          %select_n3A_241 = arith.select %gt3A_236, %broadcast_in_dim3A_239, %broadcast_in_dim3A_240 : vector<16xi1>, vector<16xf32>
          %mul3A_242 = arith.mulf %select_n3A_241, %select_n3A_233 : vector<16xf32>
          %sub3A_243 = arith.constant 1.000000e+00 : f32
          %sub3A_244 = vector.broadcast %sub3A_243 : f32 to vector<16xf32>
          %sub3A_245 = arith.subf %sub3A_244, %select_n3A_200 : vector<16xf32>
          %mul3A_246 = arith.mulf %mul3A_242, %sub3A_245 : vector<16xf32>
          %sub3A_247 = arith.constant 1.000000e+00 : f32
          %sub3A_248 = vector.broadcast %sub3A_247 : f32 to vector<16xf32>
          %sub3A_249 = arith.subf %sub3A_248, %select_n3A_211 : vector<16xf32>
          %mul3A_250 = arith.mulf %mul3A_246, %sub3A_249 : vector<16xf32>
          %mul3A_251 = vector.broadcast %select_n3A : f32 to vector<16xf32>
          %mul3A_252 = arith.mulf %mul3A_250, %mul3A_251 : vector<16xf32>
          %add3A_253 = arith.addf %convert_element_type3A_48, %mul3A_11 : f32
          %sub3A_254 = vector.broadcast %add3A_253 : f32 to vector<16xf32>
          %sub3A_255 = arith.subf %mul3A_171, %sub3A_254 : vector<16xf32>
          %add3A_256 = vector.broadcast %mul3A_13 : f32 to vector<16xf32>
          %add3A_257 = arith.addf %convert_element_type3A_161, %add3A_256 : vector<16xf32>
          %sub3A_258 = arith.subf %mul3A_180, %add3A_257 : vector<16xf32>
          %mul3A_259 = arith.constant 1024 : i32
          %mul3A_260 = arith.muli %scan3A_40, %mul3A_259 : i32
          %add3A_261 = arith.addi %mul3A_260, %mul3A_125 : i32
          %convert_element_type3A_262 = arith.fptosi %mul3A_252 : vector<16xf32> to vector<16xi32>
          %swap3A = arith.index_cast %add3A_261 : i32 to index
          %swap3A_263 = tpu.vector_load %arg16[%swap3A] {strides = array<i32>} : memref<8192xi32, #tpu.memory_space<vmem>>, vector<16xi32>,
          %swap3A_264 = vector.shape_cast %swap3A_263 : vector<16xi32> to vector<16xi32>
          %swap3A_265 = vector.shape_cast %convert_element_type3A_262 : vector<16xi32> to vector<16xi32>
          tpu.vector_store %arg16[%swap3A], %swap3A_265 {strides = array<i32>} : memref<8192xi32, #tpu.memory_space<vmem>>, vector<16xi32>,
          %mul3A_266 = arith.mulf %get3A_151, %mul3A_252 : vector<16xf32>
          %swap3A_267 = arith.index_cast %add3A_261 : i32 to index
          %swap3A_268 = tpu.vector_load %arg19[%swap3A_267] {strides = array<i32>} : memref<8192xf32, #tpu.memory_space<vmem>>, vector<16xf32>,
          %swap3A_269 = vector.shape_cast %swap3A_268 : vector<16xf32> to vector<16xf32>
          %swap3A_270 = vector.shape_cast %mul3A_266 : vector<16xf32> to vector<16xf32>
          tpu.vector_store %arg19[%swap3A_267], %swap3A_270 {strides = array<i32>} : memref<8192xf32, #tpu.memory_space<vmem>>, vector<16xf32>,
          %mul3A_271 = arith.mulf %sub3A_255, %mul3A_252 : vector<16xf32>
          %swap3A_272 = arith.index_cast %add3A_261 : i32 to index
          %swap3A_273 = tpu.vector_load %arg17[%swap3A_272] {strides = array<i32>} : memref<8192xf32, #tpu.memory_space<vmem>>, vector<16xf32>,
          %swap3A_274 = vector.shape_cast %swap3A_273 : vector<16xf32> to vector<16xf32>
          %swap3A_275 = vector.shape_cast %mul3A_271 : vector<16xf32> to vector<16xf32>
          tpu.vector_store %arg17[%swap3A_272], %swap3A_275 {strides = array<i32>} : memref<8192xf32, #tpu.memory_space<vmem>>, vector<16xf32>,
          %mul3A_276 = arith.mulf %sub3A_258, %mul3A_252 : vector<16xf32>
          %swap3A_277 = arith.index_cast %add3A_261 : i32 to index
          %swap3A_278 = tpu.vector_load %arg18[%swap3A_277] {strides = array<i32>} : memref<8192xf32, #tpu.memory_space<vmem>>, vector<16xf32>,
          %swap3A_279 = vector.shape_cast %swap3A_278 : vector<16xf32> to vector<16xf32>
          %swap3A_280 = vector.shape_cast %mul3A_276 : vector<16xf32> to vector<16xf32>
          tpu.vector_store %arg18[%swap3A_277], %swap3A_280 {strides = array<i32>} : memref<8192xf32, #tpu.memory_space<vmem>>, vector<16xf32>,
          %mul3A_281 = arith.mulf %select_n3A_211, %mul3A_242 : vector<16xf32>
          %mul3A_282 = arith.mulf %select_n3A_221, %select_n3A_233 : vector<16xf32>
          %max3A_283 = arith.maximumf %mul3A_281, %mul3A_282 : vector<16xf32>
          %max3A_284 = arith.maximumf %scan3A_123, %max3A_283 : vector<16xf32>
          scf.yield %max3A_284 : vector<16xf32>
        }
        %scan3A_69 = arith.constant 64 : i32
        %slice3A_70 = vector.extract_strided_slice %scan3A_68 {offsets = [0], sizes = [1], strides = [1]} : vector<16xf32> to vector<1xf32>
        %squeeze3A_71 = vector.extract %slice3A_70[0] : f32 from vector<1xf32>
        %slice3A_72 = vector.extract_strided_slice %scan3A_68 {offsets = [1], sizes = [1], strides = [1]} : vector<16xf32> to vector<1xf32>
        %squeeze3A_73 = vector.extract %slice3A_72[0] : f32 from vector<1xf32>
        %add3A_74 = arith.addf %squeeze3A_71, %squeeze3A_73 : f32
        %slice3A_75 = vector.extract_strided_slice %scan3A_68 {offsets = [2], sizes = [1], strides = [1]} : vector<16xf32> to vector<1xf32>
        %squeeze3A_76 = vector.extract %slice3A_75[0] : f32 from vector<1xf32>
        %add3A_77 = arith.addf %add3A_74, %squeeze3A_76 : f32
        %slice3A_78 = vector.extract_strided_slice %scan3A_68 {offsets = [3], sizes = [1], strides = [1]} : vector<16xf32> to vector<1xf32>
        %squeeze3A_79 = vector.extract %slice3A_78[0] : f32 from vector<1xf32>
        %add3A_80 = arith.addf %add3A_77, %squeeze3A_79 : f32
        %slice3A_81 = vector.extract_strided_slice %scan3A_68 {offsets = [4], sizes = [1], strides = [1]} : vector<16xf32> to vector<1xf32>
        %squeeze3A_82 = vector.extract %slice3A_81[0] : f32 from vector<1xf32>
        %add3A_83 = arith.addf %add3A_80, %squeeze3A_82 : f32
        %slice3A_84 = vector.extract_strided_slice %scan3A_68 {offsets = [5], sizes = [1], strides = [1]} : vector<16xf32> to vector<1xf32>
        %squeeze3A_85 = vector.extract %slice3A_84[0] : f32 from vector<1xf32>
        %add3A_86 = arith.addf %add3A_83, %squeeze3A_85 : f32
        %slice3A_87 = vector.extract_strided_slice %scan3A_68 {offsets = [6], sizes = [1], strides = [1]} : vector<16xf32> to vector<1xf32>
        %squeeze3A_88 = vector.extract %slice3A_87[0] : f32 from vector<1xf32>
        %add3A_89 = arith.addf %add3A_86, %squeeze3A_88 : f32
        %slice3A_90 = vector.extract_strided_slice %scan3A_68 {offsets = [7], sizes = [1], strides = [1]} : vector<16xf32> to vector<1xf32>
        %squeeze3A_91 = vector.extract %slice3A_90[0] : f32 from vector<1xf32>
        %add3A_92 = arith.addf %add3A_89, %squeeze3A_91 : f32
        %slice3A_93 = vector.extract_strided_slice %scan3A_68 {offsets = [8], sizes = [1], strides = [1]} : vector<16xf32> to vector<1xf32>
        %squeeze3A_94 = vector.extract %slice3A_93[0] : f32 from vector<1xf32>
        %add3A_95 = arith.addf %add3A_92, %squeeze3A_94 : f32
        %slice3A_96 = vector.extract_strided_slice %scan3A_68 {offsets = [9], sizes = [1], strides = [1]} : vector<16xf32> to vector<1xf32>
        %squeeze3A_97 = vector.extract %slice3A_96[0] : f32 from vector<1xf32>
        %add3A_98 = arith.addf %add3A_95, %squeeze3A_97 : f32
        %slice3A_99 = vector.extract_strided_slice %scan3A_68 {offsets = [10], sizes = [1], strides = [1]} : vector<16xf32> to vector<1xf32>
        %squeeze3A_100 = vector.extract %slice3A_99[0] : f32 from vector<1xf32>
        %add3A_101 = arith.addf %add3A_98, %squeeze3A_100 : f32
        %slice3A_102 = vector.extract_strided_slice %scan3A_68 {offsets = [11], sizes = [1], strides = [1]} : vector<16xf32> to vector<1xf32>
        %squeeze3A_103 = vector.extract %slice3A_102[0] : f32 from vector<1xf32>
        %add3A_104 = arith.addf %add3A_101, %squeeze3A_103 : f32
        %slice3A_105 = vector.extract_strided_slice %scan3A_68 {offsets = [12], sizes = [1], strides = [1]} : vector<16xf32> to vector<1xf32>
        %squeeze3A_106 = vector.extract %slice3A_105[0] : f32 from vector<1xf32>
        %add3A_107 = arith.addf %add3A_104, %squeeze3A_106 : f32
        %slice3A_108 = vector.extract_strided_slice %scan3A_68 {offsets = [13], sizes = [1], strides = [1]} : vector<16xf32> to vector<1xf32>
        %squeeze3A_109 = vector.extract %slice3A_108[0] : f32 from vector<1xf32>
        %add3A_110 = arith.addf %add3A_107, %squeeze3A_109 : f32
        %slice3A_111 = vector.extract_strided_slice %scan3A_68 {offsets = [14], sizes = [1], strides = [1]} : vector<16xf32> to vector<1xf32>
        %squeeze3A_112 = vector.extract %slice3A_111[0] : f32 from vector<1xf32>
        %add3A_113 = arith.addf %add3A_110, %squeeze3A_112 : f32
        %slice3A_114 = vector.extract_strided_slice %scan3A_68 {offsets = [15], sizes = [1], strides = [1]} : vector<16xf32> to vector<1xf32>
        %squeeze3A_115 = vector.extract %slice3A_114[0] : f32 from vector<1xf32>
        %add3A_116 = arith.addf %add3A_113, %squeeze3A_115 : f32
        %gt3A = arith.constant 0.000000e+00 : f32
        %gt3A_117 = arith.cmpf ogt, %add3A_116, %gt3A : f32
        %convert_element_type3A_118 = arith.extui %gt3A_117 : i1 to i32
        %cond3A = arith.constant 0 : i32
        %cond3A_119 = arith.constant 0 : i32
        %cond3A_120 = arith.cmpi ne, %convert_element_type3A_118, %cond3A_119 : i32
        %cond3A_121 = scf.if %cond3A_120 -> (i32) {
          %scan3A_122 = arith.constant 0 : i32
          %scan3A_123 = arith.constant 0 : i32
          %scan3A_124 = arith.constant 64 : i32
          %scan3A_125 = arith.addi %scan3A_123, %scan3A_124 : i32
          %scan3A_126 = arith.constant 1 : i32
          scf.for %scan3A_129 = %scan3A_123 to %scan3A_125 step %scan3A_126  : i32 {
            %mul3A_130 = arith.constant 16 : i32
            %mul3A_131 = arith.muli %scan3A_129, %mul3A_130 : i32
            %add3A_132 = vector.broadcast %mul3A_131 : i32 to vector<16xi32>
            %add3A_133 = arith.addi %add3A_132, %iota3A : vector<16xi32>
            %sub3A_134 = arith.subi %add3A_41, %mul3A_6 : i32
            %sub3A_135 = arith.constant 0 : i32
            %sub3A_136 = arith.subi %sub3A_134, %sub3A_135 : i32
            %sub3A_137 = arith.subi %sub3A_136, %min3A : i32
            %ge3A_138 = arith.constant 0 : i32
            %ge3A_139 = arith.cmpi sge, %sub3A_136, %ge3A_138 : i32
            %lt3A_140 = arith.constant 1024 : i32
            %lt3A_141 = arith.cmpi slt, %sub3A_136, %lt3A_140 : i32
            %and3A_142 = arith.andi %ge3A_139, %lt3A_141 : i1
            %ge3A_143 = arith.constant 0 : i32
            %ge3A_144 = arith.cmpi sge, %sub3A_137, %ge3A_143 : i32
            %and3A_145 = arith.andi %and3A_142, %ge3A_144 : i1
            %lt3A_146 = arith.constant 9 : i32
            %lt3A_147 = arith.cmpi slt, %sub3A_137, %lt3A_146 : i32
            %and3A_148 = arith.andi %and3A_145, %lt3A_147 : i1
            %jit3A_149 = arith.constant 1.000000e+00 : f32
            %jit3A_150 = arith.constant 0.000000e+00 : f32
            %select_n3A_151 = arith.select %and3A_148, %jit3A_149, %jit3A_150 : f32
            %add3A_152 = arith.addf %convert_element_type3A_48, %mul3A_11 : f32
            %add3A_153 = arith.constant 1.000000e+00 : f32
            %add3A_154 = arith.addf %add3A_152, %add3A_153 : f32
            %add3A_155 = arith.addf %convert_element_type3A_48, %mul3A_11 : f32
            %add3A_156 = arith.constant 0.000000e+00 : f32
            %add3A_157 = arith.addf %add3A_155, %add3A_156 : f32
            %mul3A_158 = arith.constant 1024 : i32
            %mul3A_159 = arith.muli %sub3A_137, %mul3A_158 : i32
            %add3A_160 = arith.addi %mul3A_159, %mul3A_131 : i32
            %sub3A_161 = arith.subi %add3A_160, %mul3A_8 : i32
            %sub3A_162 = arith.constant 0 : i32
            %sub3A_163 = arith.subi %sub3A_161, %sub3A_162 : i32
            %add3A_164 = arith.constant 16 : i32
            %add3A_165 = arith.addi %sub3A_163, %add3A_164 : i32
            %jit3A_166 = arith.constant 0 : i32
            %jit3A_167 = arith.constant 9216 : i32
            %max3A_168 = arith.maxsi %jit3A_166, %add3A_165 : i32
            %min3A_169 = arith.minsi %jit3A_167, %max3A_168 : i32
            %sub3A_170 = vector.broadcast %mul3A_8 : i32 to vector<16xi32>
            %sub3A_171 = arith.subi %add3A_133, %sub3A_170 : vector<16xi32>
            %sub3A_172 = arith.constant 0 : i32
            %sub3A_173 = vector.broadcast %sub3A_172 : i32 to vector<16xi32>
            %sub3A_174 = arith.subi %sub3A_171, %sub3A_173 : vector<16xi32>
            %get3A_175 = arith.index_cast %min3A_169 : i32 to index
            %get3A_176 = tpu.vector_load %arg12[%get3A_175] {strides = array<i32>} : memref<9248xi32, #tpu.memory_space<vmem>>, vector<16xi32>,
            %get3A_177 = vector.shape_cast %get3A_176 : vector<16xi32> to vector<16xi32>
            %get3A_178 = arith.index_cast %min3A_169 : i32 to index
            %get3A_179 = tpu.vector_load %arg15[%get3A_178] {strides = array<i32>} : memref<9248xf32, #tpu.memory_space<vmem>>, vector<16xf32>,
            %get3A_180 = vector.shape_cast %get3A_179 : vector<16xf32> to vector<16xf32>
            %get3A_181 = arith.index_cast %min3A_169 : i32 to index
            %get3A_182 = tpu.vector_load %arg13[%get3A_181] {strides = array<i32>} : memref<9248xf32, #tpu.memory_space<vmem>>, vector<16xf32>,
            %get3A_183 = vector.shape_cast %get3A_182 : vector<16xf32> to vector<16xf32>
            %get3A_184 = arith.index_cast %min3A_169 : i32 to index
            %get3A_185 = tpu.vector_load %arg14[%get3A_184] {strides = array<i32>} : memref<9248xf32, #tpu.memory_space<vmem>>, vector<16xf32>,
            %get3A_186 = vector.shape_cast %get3A_185 : vector<16xf32> to vector<16xf32>
            %convert_element_type3A_187 = arith.sitofp %sub3A_174 : vector<16xi32> to vector<16xf32>
            %add3A_188 = vector.broadcast %convert_element_type3A_48 : f32 to vector<16xf32>
            %add3A_189 = arith.addf %add3A_188, %get3A_183 : vector<16xf32>
            %mul3A_190 = arith.constant 5.000000e-01 : f32
            %mul3A_191 = vector.broadcast %mul3A_190 : f32 to vector<16xf32>
            %mul3A_192 = arith.mulf %add3A_189, %mul3A_191 : vector<16xf32>
            %add3A_193 = vector.broadcast %convert_element_type3A : f32 to vector<16xf32>
            %add3A_194 = arith.addf %mul3A_192, %add3A_193 : vector<16xf32>
            %mul3A_195 = arith.constant 2.000000e+00 : f32
            %mul3A_196 = vector.broadcast %mul3A_195 : f32 to vector<16xf32>
            %mul3A_197 = arith.mulf %add3A_194, %mul3A_196 : vector<16xf32>
            %add3A_198 = arith.addf %convert_element_type3A_187, %get3A_186 : vector<16xf32>
            %mul3A_199 = arith.constant 5.000000e-01 : f32
            %mul3A_200 = vector.broadcast %mul3A_199 : f32 to vector<16xf32>
            %mul3A_201 = arith.mulf %add3A_198, %mul3A_200 : vector<16xf32>
            %add3A_202 = vector.broadcast %convert_element_type3A_9 : f32 to vector<16xf32>
            %add3A_203 = arith.addf %mul3A_201, %add3A_202 : vector<16xf32>
            %mul3A_204 = arith.constant 2.000000e+00 : f32
            %mul3A_205 = vector.broadcast %mul3A_204 : f32 to vector<16xf32>
            %mul3A_206 = arith.mulf %add3A_203, %mul3A_205 : vector<16xf32>
            %ge3A_207 = vector.broadcast %add3A_154 : f32 to vector<16xf32>
            %ge3A_208 = arith.cmpf oge, %mul3A_197, %ge3A_207 : vector<16xf32>
            %jit3A_209 = arith.constant 1.000000e+00 : f32
            %jit3A_210 = arith.constant 0.000000e+00 : f32
            %broadcast_in_dim3A_211 = vector.broadcast %jit3A_209 : f32 to vector<16xf32>
            %broadcast_in_dim3A_212 = vector.broadcast %jit3A_210 : f32 to vector<16xf32>
            %select_n3A_213 = arith.select %ge3A_208, %broadcast_in_dim3A_211, %broadcast_in_dim3A_212 : vector<16xi1>, vector<16xf32>
            %add3A_214 = vector.broadcast %mul3A_13 : f32 to vector<16xf32>
            %add3A_215 = arith.addf %convert_element_type3A_187, %add3A_214 : vector<16xf32>
            %add3A_216 = arith.constant 1.000000e+00 : f32
            %add3A_217 = vector.broadcast %add3A_216 : f32 to vector<16xf32>
            %add3A_218 = arith.addf %add3A_215, %add3A_217 : vector<16xf32>
            %ge3A_219 = arith.cmpf oge, %mul3A_206, %add3A_218 : vector<16xf32>
            %jit3A_220 = arith.constant 1.000000e+00 : f32
            %jit3A_221 = arith.constant 0.000000e+00 : f32
            %broadcast_in_dim3A_222 = vector.broadcast %jit3A_220 : f32 to vector<16xf32>
            %broadcast_in_dim3A_223 = vector.broadcast %jit3A_221 : f32 to vector<16xf32>
            %select_n3A_224 = arith.select %ge3A_219, %broadcast_in_dim3A_222, %broadcast_in_dim3A_223 : vector<16xi1>, vector<16xf32>
            %sub3A_225 = arith.constant 1.000000e+00 : f32
            %sub3A_226 = vector.broadcast %sub3A_225 : f32 to vector<16xf32>
            %sub3A_227 = arith.subf %sub3A_226, %select_n3A_213 : vector<16xf32>
            %sub3A_228 = arith.constant 1.000000e+00 : f32
            %sub3A_229 = vector.broadcast %sub3A_228 : f32 to vector<16xf32>
            %sub3A_230 = arith.subf %sub3A_229, %select_n3A_224 : vector<16xf32>
            %gt3A_231 = arith.constant 0 : i32
            %gt3A_232 = vector.broadcast %gt3A_231 : i32 to vector<16xi32>
            %gt3A_233 = arith.cmpi sgt, %get3A_177, %gt3A_232 : vector<16xi32>
            %ge3A_234 = arith.constant 0 : i32
            %ge3A_235 = vector.broadcast %ge3A_234 : i32 to vector<16xi32>
            %ge3A_236 = arith.cmpi sge, %sub3A_174, %ge3A_235 : vector<16xi32>
            %and3A_237 = arith.andi %gt3A_233, %ge3A_236 : vector<16xi1>
            %lt3A_238 = arith.constant 1024 : i32
            %lt3A_239 = vector.broadcast %lt3A_238 : i32 to vector<16xi32>
            %lt3A_240 = arith.cmpi slt, %sub3A_174, %lt3A_239 : vector<16xi32>
            %and3A_241 = arith.andi %and3A_237, %lt3A_240 : vector<16xi1>
            %jit3A_242 = arith.constant 1.000000e+00 : f32
            %jit3A_243 = arith.constant 0.000000e+00 : f32
            %broadcast_in_dim3A_244 = vector.broadcast %jit3A_242 : f32 to vector<16xf32>
            %broadcast_in_dim3A_245 = vector.broadcast %jit3A_243 : f32 to vector<16xf32>
            %select_n3A_246 = arith.select %and3A_241, %broadcast_in_dim3A_244, %broadcast_in_dim3A_245 : vector<16xi1>, vector<16xf32>
            %mul3A_247 = arith.mulf %select_n3A_246, %sub3A_227 : vector<16xf32>
            %mul3A_248 = arith.mulf %mul3A_247, %sub3A_230 : vector<16xf32>
            %mul3A_249 = vector.broadcast %select_n3A_151 : f32 to vector<16xf32>
            %mul3A_250 = arith.mulf %mul3A_248, %mul3A_249 : vector<16xf32>
            %sub3A_251 = vector.broadcast %add3A_157 : f32 to vector<16xf32>
            %sub3A_252 = arith.subf %mul3A_197, %sub3A_251 : vector<16xf32>
            %add3A_253 = vector.broadcast %mul3A_13 : f32 to vector<16xf32>
            %add3A_254 = arith.addf %convert_element_type3A_187, %add3A_253 : vector<16xf32>
            %add3A_255 = arith.constant 0.000000e+00 : f32
            %add3A_256 = vector.broadcast %add3A_255 : f32 to vector<16xf32>
            %add3A_257 = arith.addf %add3A_254, %add3A_256 : vector<16xf32>
            %sub3A_258 = arith.subf %mul3A_206, %add3A_257 : vector<16xf32>
            %add3A_259 = arith.addf %broadcast_in_dim3A_14, %mul3A_250 : vector<16xf32>
            %mul3A_260 = arith.mulf %get3A_180, %mul3A_250 : vector<16xf32>
            %add3A_261 = arith.addf %broadcast_in_dim3A_14, %mul3A_260 : vector<16xf32>
            %mul3A_262 = arith.mulf %sub3A_252, %mul3A_250 : vector<16xf32>
            %add3A_263 = arith.addf %broadcast_in_dim3A_14, %mul3A_262 : vector<16xf32>
            %mul3A_264 = arith.mulf %sub3A_258, %mul3A_250 : vector<16xf32>
            %add3A_265 = arith.addf %broadcast_in_dim3A_14, %mul3A_264 : vector<16xf32>
            %mul3A_266 = arith.constant 1024 : i32
            %mul3A_267 = arith.muli %sub3A_137, %mul3A_266 : i32
            %add3A_268 = arith.addi %mul3A_267, %mul3A_131 : i32
            %sub3A_269 = arith.subi %add3A_268, %mul3A_8 : i32
            %sub3A_270 = arith.constant 1 : i32
            %sub3A_271 = arith.subi %sub3A_269, %sub3A_270 : i32
            %add3A_272 = arith.constant 16 : i32
            %add3A_273 = arith.addi %sub3A_271, %add3A_272 : i32
            %jit3A_274 = arith.constant 0 : i32
            %jit3A_275 = arith.constant 9216 : i32
            %max3A_276 = arith.maxsi %jit3A_274, %add3A_273 : i32
            %min3A_277 = arith.minsi %jit3A_275, %max3A_276 : i32
            %sub3A_278 = vector.broadcast %mul3A_8 : i32 to vector<16xi32>
            %sub3A_279 = arith.subi %add3A_133, %sub3A_278 : vector<16xi32>
            %sub3A_280 = arith.constant 1 : i32
            %sub3A_281 = vector.broadcast %sub3A_280 : i32 to vector<16xi32>
            %sub3A_282 = arith.subi %sub3A_279, %sub3A_281 : vector<16xi32>
            %get3A_283 = arith.index_cast %min3A_277 : i32 to index
            %get3A_284 = tpu.vector_load %arg12[%get3A_283] {strides = array<i32>} : memref<9248xi32, #tpu.memory_space<vmem>>, vector<16xi32>,
            %get3A_285 = vector.shape_cast %get3A_284 : vector<16xi32> to vector<16xi32>
            %get3A_286 = arith.index_cast %min3A_277 : i32 to index
            %get3A_287 = tpu.vector_load %arg15[%get3A_286] {strides = array<i32>} : memref<9248xf32, #tpu.memory_space<vmem>>, vector<16xf32>,
            %get3A_288 = vector.shape_cast %get3A_287 : vector<16xf32> to vector<16xf32>
            %get3A_289 = arith.index_cast %min3A_277 : i32 to index
            %get3A_290 = tpu.vector_load %arg13[%get3A_289] {strides = array<i32>} : memref<9248xf32, #tpu.memory_space<vmem>>, vector<16xf32>,
            %get3A_291 = vector.shape_cast %get3A_290 : vector<16xf32> to vector<16xf32>
            %get3A_292 = arith.index_cast %min3A_277 : i32 to index
            %get3A_293 = tpu.vector_load %arg14[%get3A_292] {strides = array<i32>} : memref<9248xf32, #tpu.memory_space<vmem>>, vector<16xf32>,
            %get3A_294 = vector.shape_cast %get3A_293 : vector<16xf32> to vector<16xf32>
            %convert_element_type3A_295 = arith.sitofp %sub3A_282 : vector<16xi32> to vector<16xf32>
            %add3A_296 = vector.broadcast %convert_element_type3A_48 : f32 to vector<16xf32>
            %add3A_297 = arith.addf %add3A_296, %get3A_291 : vector<16xf32>
            %mul3A_298 = arith.constant 5.000000e-01 : f32
            %mul3A_299 = vector.broadcast %mul3A_298 : f32 to vector<16xf32>
            %mul3A_300 = arith.mulf %add3A_297, %mul3A_299 : vector<16xf32>
            %add3A_301 = vector.broadcast %convert_element_type3A : f32 to vector<16xf32>
            %add3A_302 = arith.addf %mul3A_300, %add3A_301 : vector<16xf32>
            %mul3A_303 = arith.constant 2.000000e+00 : f32
            %mul3A_304 = vector.broadcast %mul3A_303 : f32 to vector<16xf32>
            %mul3A_305 = arith.mulf %add3A_302, %mul3A_304 : vector<16xf32>
            %add3A_306 = arith.addf %convert_element_type3A_295, %get3A_294 : vector<16xf32>
            %mul3A_307 = arith.constant 5.000000e-01 : f32
            %mul3A_308 = vector.broadcast %mul3A_307 : f32 to vector<16xf32>
            %mul3A_309 = arith.mulf %add3A_306, %mul3A_308 : vector<16xf32>
            %add3A_310 = vector.broadcast %convert_element_type3A_9 : f32 to vector<16xf32>
            %add3A_311 = arith.addf %mul3A_309, %add3A_310 : vector<16xf32>
            %mul3A_312 = arith.constant 2.000000e+00 : f32
            %mul3A_313 = vector.broadcast %mul3A_312 : f32 to vector<16xf32>
            %mul3A_314 = arith.mulf %add3A_311, %mul3A_313 : vector<16xf32>
            %ge3A_315 = vector.broadcast %add3A_154 : f32 to vector<16xf32>
            %ge3A_316 = arith.cmpf oge, %mul3A_305, %ge3A_315 : vector<16xf32>
            %jit3A_317 = arith.constant 1.000000e+00 : f32
            %jit3A_318 = arith.constant 0.000000e+00 : f32
            %broadcast_in_dim3A_319 = vector.broadcast %jit3A_317 : f32 to vector<16xf32>
            %broadcast_in_dim3A_320 = vector.broadcast %jit3A_318 : f32 to vector<16xf32>
            %select_n3A_321 = arith.select %ge3A_316, %broadcast_in_dim3A_319, %broadcast_in_dim3A_320 : vector<16xi1>, vector<16xf32>
            %add3A_322 = vector.broadcast %mul3A_13 : f32 to vector<16xf32>
            %add3A_323 = arith.addf %convert_element_type3A_295, %add3A_322 : vector<16xf32>
            %add3A_324 = arith.constant 1.000000e+00 : f32
            %add3A_325 = vector.broadcast %add3A_324 : f32 to vector<16xf32>
            %add3A_326 = arith.addf %add3A_323, %add3A_325 : vector<16xf32>
            %ge3A_327 = arith.cmpf oge, %mul3A_314, %add3A_326 : vector<16xf32>
            %jit3A_328 = arith.constant 1.000000e+00 : f32
            %jit3A_329 = arith.constant 0.000000e+00 : f32
            %broadcast_in_dim3A_330 = vector.broadcast %jit3A_328 : f32 to vector<16xf32>
            %broadcast_in_dim3A_331 = vector.broadcast %jit3A_329 : f32 to vector<16xf32>
            %select_n3A_332 = arith.select %ge3A_327, %broadcast_in_dim3A_330, %broadcast_in_dim3A_331 : vector<16xi1>, vector<16xf32>
            %sub3A_333 = arith.constant 1.000000e+00 : f32
            %sub3A_334 = vector.broadcast %sub3A_333 : f32 to vector<16xf32>
            %sub3A_335 = arith.subf %sub3A_334, %select_n3A_321 : vector<16xf32>
            %gt3A_336 = arith.constant 0 : i32
            %gt3A_337 = vector.broadcast %gt3A_336 : i32 to vector<16xi32>
            %gt3A_338 = arith.cmpi sgt, %get3A_285, %gt3A_337 : vector<16xi32>
            %ge3A_339 = arith.constant 0 : i32
            %ge3A_340 = vector.broadcast %ge3A_339 : i32 to vector<16xi32>
            %ge3A_341 = arith.cmpi sge, %sub3A_282, %ge3A_340 : vector<16xi32>
            %and3A_342 = arith.andi %gt3A_338, %ge3A_341 : vector<16xi1>
            %lt3A_343 = arith.constant 1024 : i32
            %lt3A_344 = vector.broadcast %lt3A_343 : i32 to vector<16xi32>
            %lt3A_345 = arith.cmpi slt, %sub3A_282, %lt3A_344 : vector<16xi32>
            %and3A_346 = arith.andi %and3A_342, %lt3A_345 : vector<16xi1>
            %jit3A_347 = arith.constant 1.000000e+00 : f32
            %jit3A_348 = arith.constant 0.000000e+00 : f32
            %broadcast_in_dim3A_349 = vector.broadcast %jit3A_347 : f32 to vector<16xf32>
            %broadcast_in_dim3A_350 = vector.broadcast %jit3A_348 : f32 to vector<16xf32>
            %select_n3A_351 = arith.select %and3A_346, %broadcast_in_dim3A_349, %broadcast_in_dim3A_350 : vector<16xi1>, vector<16xf32>
            %mul3A_352 = arith.mulf %select_n3A_351, %sub3A_335 : vector<16xf32>
            %mul3A_353 = arith.mulf %mul3A_352, %select_n3A_332 : vector<16xf32>
            %mul3A_354 = vector.broadcast %select_n3A_151 : f32 to vector<16xf32>
            %mul3A_355 = arith.mulf %mul3A_353, %mul3A_354 : vector<16xf32>
            %sub3A_356 = vector.broadcast %add3A_157 : f32 to vector<16xf32>
            %sub3A_357 = arith.subf %mul3A_305, %sub3A_356 : vector<16xf32>
            %add3A_358 = vector.broadcast %mul3A_13 : f32 to vector<16xf32>
            %add3A_359 = arith.addf %convert_element_type3A_295, %add3A_358 : vector<16xf32>
            %add3A_360 = arith.constant 1.000000e+00 : f32
            %add3A_361 = vector.broadcast %add3A_360 : f32 to vector<16xf32>
            %add3A_362 = arith.addf %add3A_359, %add3A_361 : vector<16xf32>
            %sub3A_363 = arith.subf %mul3A_314, %add3A_362 : vector<16xf32>
            %add3A_364 = arith.addf %add3A_259, %mul3A_355 : vector<16xf32>
            %mul3A_365 = arith.mulf %get3A_288, %mul3A_355 : vector<16xf32>
            %add3A_366 = arith.addf %add3A_261, %mul3A_365 : vector<16xf32>
            %mul3A_367 = arith.mulf %sub3A_357, %mul3A_355 : vector<16xf32>
            %add3A_368 = arith.addf %add3A_263, %mul3A_367 : vector<16xf32>
            %mul3A_369 = arith.mulf %sub3A_363, %mul3A_355 : vector<16xf32>
            %add3A_370 = arith.addf %add3A_265, %mul3A_369 : vector<16xf32>
            %sub3A_371 = arith.subi %add3A_41, %mul3A_6 : i32
            %sub3A_372 = arith.constant 1 : i32
            %sub3A_373 = arith.subi %sub3A_371, %sub3A_372 : i32
            %sub3A_374 = arith.subi %sub3A_373, %min3A : i32
            %ge3A_375 = arith.constant 0 : i32
            %ge3A_376 = arith.cmpi sge, %sub3A_373, %ge3A_375 : i32
            %lt3A_377 = arith.constant 1024 : i32
            %lt3A_378 = arith.cmpi slt, %sub3A_373, %lt3A_377 : i32
            %and3A_379 = arith.andi %ge3A_376, %lt3A_378 : i1
            %ge3A_380 = arith.constant 0 : i32
            %ge3A_381 = arith.cmpi sge, %sub3A_374, %ge3A_380 : i32
            %and3A_382 = arith.andi %and3A_379, %ge3A_381 : i1
            %lt3A_383 = arith.constant 9 : i32
            %lt3A_384 = arith.cmpi slt, %sub3A_374, %lt3A_383 : i32
            %and3A_385 = arith.andi %and3A_382, %lt3A_384 : i1
            %jit3A_386 = arith.constant 1.000000e+00 : f32
            %jit3A_387 = arith.constant 0.000000e+00 : f32
            %select_n3A_388 = arith.select %and3A_385, %jit3A_386, %jit3A_387 : f32
            %add3A_389 = arith.addf %convert_element_type3A_49, %mul3A_11 : f32
            %add3A_390 = arith.constant 1.000000e+00 : f32
            %add3A_391 = arith.addf %add3A_389, %add3A_390 : f32
            %add3A_392 = arith.addf %convert_element_type3A_49, %mul3A_11 : f32
            %add3A_393 = arith.constant 1.000000e+00 : f32
            %add3A_394 = arith.addf %add3A_392, %add3A_393 : f32
            %mul3A_395 = arith.constant 1024 : i32
            %mul3A_396 = arith.muli %sub3A_374, %mul3A_395 : i32
            %add3A_397 = arith.addi %mul3A_396, %mul3A_131 : i32
            %sub3A_398 = arith.subi %add3A_397, %mul3A_8 : i32
            %sub3A_399 = arith.constant 0 : i32
            %sub3A_400 = arith.subi %sub3A_398, %sub3A_399 : i32
            %add3A_401 = arith.constant 16 : i32
            %add3A_402 = arith.addi %sub3A_400, %add3A_401 : i32
            %jit3A_403 = arith.constant 0 : i32
            %jit3A_404 = arith.constant 9216 : i32
            %max3A_405 = arith.maxsi %jit3A_403, %add3A_402 : i32
            %min3A_406 = arith.minsi %jit3A_404, %max3A_405 : i32
            %sub3A_407 = vector.broadcast %mul3A_8 : i32 to vector<16xi32>
            %sub3A_408 = arith.subi %add3A_133, %sub3A_407 : vector<16xi32>
            %sub3A_409 = arith.constant 0 : i32
            %sub3A_410 = vector.broadcast %sub3A_409 : i32 to vector<16xi32>
            %sub3A_411 = arith.subi %sub3A_408, %sub3A_410 : vector<16xi32>
            %get3A_412 = arith.index_cast %min3A_406 : i32 to index
            %get3A_413 = tpu.vector_load %arg12[%get3A_412] {strides = array<i32>} : memref<9248xi32, #tpu.memory_space<vmem>>, vector<16xi32>,
            %get3A_414 = vector.shape_cast %get3A_413 : vector<16xi32> to vector<16xi32>
            %get3A_415 = arith.index_cast %min3A_406 : i32 to index
            %get3A_416 = tpu.vector_load %arg15[%get3A_415] {strides = array<i32>} : memref<9248xf32, #tpu.memory_space<vmem>>, vector<16xf32>,
            %get3A_417 = vector.shape_cast %get3A_416 : vector<16xf32> to vector<16xf32>
            %get3A_418 = arith.index_cast %min3A_406 : i32 to index
            %get3A_419 = tpu.vector_load %arg13[%get3A_418] {strides = array<i32>} : memref<9248xf32, #tpu.memory_space<vmem>>, vector<16xf32>,
            %get3A_420 = vector.shape_cast %get3A_419 : vector<16xf32> to vector<16xf32>
            %get3A_421 = arith.index_cast %min3A_406 : i32 to index
            %get3A_422 = tpu.vector_load %arg14[%get3A_421] {strides = array<i32>} : memref<9248xf32, #tpu.memory_space<vmem>>, vector<16xf32>,
            %get3A_423 = vector.shape_cast %get3A_422 : vector<16xf32> to vector<16xf32>
            %convert_element_type3A_424 = arith.sitofp %sub3A_411 : vector<16xi32> to vector<16xf32>
            %add3A_425 = vector.broadcast %convert_element_type3A_49 : f32 to vector<16xf32>
            %add3A_426 = arith.addf %add3A_425, %get3A_420 : vector<16xf32>
            %mul3A_427 = arith.constant 5.000000e-01 : f32
            %mul3A_428 = vector.broadcast %mul3A_427 : f32 to vector<16xf32>
            %mul3A_429 = arith.mulf %add3A_426, %mul3A_428 : vector<16xf32>
            %add3A_430 = vector.broadcast %convert_element_type3A : f32 to vector<16xf32>
            %add3A_431 = arith.addf %mul3A_429, %add3A_430 : vector<16xf32>
            %mul3A_432 = arith.constant 2.000000e+00 : f32
            %mul3A_433 = vector.broadcast %mul3A_432 : f32 to vector<16xf32>
            %mul3A_434 = arith.mulf %add3A_431, %mul3A_433 : vector<16xf32>
            %add3A_435 = arith.addf %convert_element_type3A_424, %get3A_423 : vector<16xf32>
            %mul3A_436 = arith.constant 5.000000e-01 : f32
            %mul3A_437 = vector.broadcast %mul3A_436 : f32 to vector<16xf32>
            %mul3A_438 = arith.mulf %add3A_435, %mul3A_437 : vector<16xf32>
            %add3A_439 = vector.broadcast %convert_element_type3A_9 : f32 to vector<16xf32>
            %add3A_440 = arith.addf %mul3A_438, %add3A_439 : vector<16xf32>
            %mul3A_441 = arith.constant 2.000000e+00 : f32
            %mul3A_442 = vector.broadcast %mul3A_441 : f32 to vector<16xf32>
            %mul3A_443 = arith.mulf %add3A_440, %mul3A_442 : vector<16xf32>
            %ge3A_444 = vector.broadcast %add3A_391 : f32 to vector<16xf32>
            %ge3A_445 = arith.cmpf oge, %mul3A_434, %ge3A_444 : vector<16xf32>
            %jit3A_446 = arith.constant 1.000000e+00 : f32
            %jit3A_447 = arith.constant 0.000000e+00 : f32
            %broadcast_in_dim3A_448 = vector.broadcast %jit3A_446 : f32 to vector<16xf32>
            %broadcast_in_dim3A_449 = vector.broadcast %jit3A_447 : f32 to vector<16xf32>
            %select_n3A_450 = arith.select %ge3A_445, %broadcast_in_dim3A_448, %broadcast_in_dim3A_449 : vector<16xi1>, vector<16xf32>
            %add3A_451 = vector.broadcast %mul3A_13 : f32 to vector<16xf32>
            %add3A_452 = arith.addf %convert_element_type3A_424, %add3A_451 : vector<16xf32>
            %add3A_453 = arith.constant 1.000000e+00 : f32
            %add3A_454 = vector.broadcast %add3A_453 : f32 to vector<16xf32>
            %add3A_455 = arith.addf %add3A_452, %add3A_454 : vector<16xf32>
            %ge3A_456 = arith.cmpf oge, %mul3A_443, %add3A_455 : vector<16xf32>
            %jit3A_457 = arith.constant 1.000000e+00 : f32
            %jit3A_458 = arith.constant 0.000000e+00 : f32
            %broadcast_in_dim3A_459 = vector.broadcast %jit3A_457 : f32 to vector<16xf32>
            %broadcast_in_dim3A_460 = vector.broadcast %jit3A_458 : f32 to vector<16xf32>
            %select_n3A_461 = arith.select %ge3A_456, %broadcast_in_dim3A_459, %broadcast_in_dim3A_460 : vector<16xi1>, vector<16xf32>
            %sub3A_462 = arith.constant 1.000000e+00 : f32
            %sub3A_463 = vector.broadcast %sub3A_462 : f32 to vector<16xf32>
            %sub3A_464 = arith.subf %sub3A_463, %select_n3A_461 : vector<16xf32>
            %gt3A_465 = arith.constant 0 : i32
            %gt3A_466 = vector.broadcast %gt3A_465 : i32 to vector<16xi32>
            %gt3A_467 = arith.cmpi sgt, %get3A_414, %gt3A_466 : vector<16xi32>
            %ge3A_468 = arith.constant 0 : i32
            %ge3A_469 = vector.broadcast %ge3A_468 : i32 to vector<16xi32>
            %ge3A_470 = arith.cmpi sge, %sub3A_411, %ge3A_469 : vector<16xi32>
            %and3A_471 = arith.andi %gt3A_467, %ge3A_470 : vector<16xi1>
            %lt3A_472 = arith.constant 1024 : i32
            %lt3A_473 = vector.broadcast %lt3A_472 : i32 to vector<16xi32>
            %lt3A_474 = arith.cmpi slt, %sub3A_411, %lt3A_473 : vector<16xi32>
            %and3A_475 = arith.andi %and3A_471, %lt3A_474 : vector<16xi1>
            %jit3A_476 = arith.constant 1.000000e+00 : f32
            %jit3A_477 = arith.constant 0.000000e+00 : f32
            %broadcast_in_dim3A_478 = vector.broadcast %jit3A_476 : f32 to vector<16xf32>
            %broadcast_in_dim3A_479 = vector.broadcast %jit3A_477 : f32 to vector<16xf32>
            %select_n3A_480 = arith.select %and3A_475, %broadcast_in_dim3A_478, %broadcast_in_dim3A_479 : vector<16xi1>, vector<16xf32>
            %mul3A_481 = arith.mulf %select_n3A_480, %select_n3A_450 : vector<16xf32>
            %mul3A_482 = arith.mulf %mul3A_481, %sub3A_464 : vector<16xf32>
            %mul3A_483 = vector.broadcast %select_n3A_388 : f32 to vector<16xf32>
            %mul3A_484 = arith.mulf %mul3A_482, %mul3A_483 : vector<16xf32>
            %sub3A_485 = vector.broadcast %add3A_394 : f32 to vector<16xf32>
            %sub3A_486 = arith.subf %mul3A_434, %sub3A_485 : vector<16xf32>
            %add3A_487 = vector.broadcast %mul3A_13 : f32 to vector<16xf32>
            %add3A_488 = arith.addf %convert_element_type3A_424, %add3A_487 : vector<16xf32>
            %add3A_489 = arith.constant 0.000000e+00 : f32
            %add3A_490 = vector.broadcast %add3A_489 : f32 to vector<16xf32>
            %add3A_491 = arith.addf %add3A_488, %add3A_490 : vector<16xf32>
            %sub3A_492 = arith.subf %mul3A_443, %add3A_491 : vector<16xf32>
            %add3A_493 = arith.addf %add3A_364, %mul3A_484 : vector<16xf32>
            %mul3A_494 = arith.mulf %get3A_417, %mul3A_484 : vector<16xf32>
            %add3A_495 = arith.addf %add3A_366, %mul3A_494 : vector<16xf32>
            %mul3A_496 = arith.mulf %sub3A_486, %mul3A_484 : vector<16xf32>
            %add3A_497 = arith.addf %add3A_368, %mul3A_496 : vector<16xf32>
            %mul3A_498 = arith.mulf %sub3A_492, %mul3A_484 : vector<16xf32>
            %add3A_499 = arith.addf %add3A_370, %mul3A_498 : vector<16xf32>
            %mul3A_500 = arith.constant 1024 : i32
            %mul3A_501 = arith.muli %sub3A_374, %mul3A_500 : i32
            %add3A_502 = arith.addi %mul3A_501, %mul3A_131 : i32
            %sub3A_503 = arith.subi %add3A_502, %mul3A_8 : i32
            %sub3A_504 = arith.constant 1 : i32
            %sub3A_505 = arith.subi %sub3A_503, %sub3A_504 : i32
            %add3A_506 = arith.constant 16 : i32
            %add3A_507 = arith.addi %sub3A_505, %add3A_506 : i32
            %jit3A_508 = arith.constant 0 : i32
            %jit3A_509 = arith.constant 9216 : i32
            %max3A_510 = arith.maxsi %jit3A_508, %add3A_507 : i32
            %min3A_511 = arith.minsi %jit3A_509, %max3A_510 : i32
            %sub3A_512 = vector.broadcast %mul3A_8 : i32 to vector<16xi32>
            %sub3A_513 = arith.subi %add3A_133, %sub3A_512 : vector<16xi32>
            %sub3A_514 = arith.constant 1 : i32
            %sub3A_515 = vector.broadcast %sub3A_514 : i32 to vector<16xi32>
            %sub3A_516 = arith.subi %sub3A_513, %sub3A_515 : vector<16xi32>
            %get3A_517 = arith.index_cast %min3A_511 : i32 to index
            %get3A_518 = tpu.vector_load %arg12[%get3A_517] {strides = array<i32>} : memref<9248xi32, #tpu.memory_space<vmem>>, vector<16xi32>,
            %get3A_519 = vector.shape_cast %get3A_518 : vector<16xi32> to vector<16xi32>
            %get3A_520 = arith.index_cast %min3A_511 : i32 to index
            %get3A_521 = tpu.vector_load %arg15[%get3A_520] {strides = array<i32>} : memref<9248xf32, #tpu.memory_space<vmem>>, vector<16xf32>,
            %get3A_522 = vector.shape_cast %get3A_521 : vector<16xf32> to vector<16xf32>
            %get3A_523 = arith.index_cast %min3A_511 : i32 to index
            %get3A_524 = tpu.vector_load %arg13[%get3A_523] {strides = array<i32>} : memref<9248xf32, #tpu.memory_space<vmem>>, vector<16xf32>,
            %get3A_525 = vector.shape_cast %get3A_524 : vector<16xf32> to vector<16xf32>
            %get3A_526 = arith.index_cast %min3A_511 : i32 to index
            %get3A_527 = tpu.vector_load %arg14[%get3A_526] {strides = array<i32>} : memref<9248xf32, #tpu.memory_space<vmem>>, vector<16xf32>,
            %get3A_528 = vector.shape_cast %get3A_527 : vector<16xf32> to vector<16xf32>
            %convert_element_type3A_529 = arith.sitofp %sub3A_516 : vector<16xi32> to vector<16xf32>
            %add3A_530 = vector.broadcast %convert_element_type3A_49 : f32 to vector<16xf32>
            %add3A_531 = arith.addf %add3A_530, %get3A_525 : vector<16xf32>
            %mul3A_532 = arith.constant 5.000000e-01 : f32
            %mul3A_533 = vector.broadcast %mul3A_532 : f32 to vector<16xf32>
            %mul3A_534 = arith.mulf %add3A_531, %mul3A_533 : vector<16xf32>
            %add3A_535 = vector.broadcast %convert_element_type3A : f32 to vector<16xf32>
            %add3A_536 = arith.addf %mul3A_534, %add3A_535 : vector<16xf32>
            %mul3A_537 = arith.constant 2.000000e+00 : f32
            %mul3A_538 = vector.broadcast %mul3A_537 : f32 to vector<16xf32>
            %mul3A_539 = arith.mulf %add3A_536, %mul3A_538 : vector<16xf32>
            %add3A_540 = arith.addf %convert_element_type3A_529, %get3A_528 : vector<16xf32>
            %mul3A_541 = arith.constant 5.000000e-01 : f32
            %mul3A_542 = vector.broadcast %mul3A_541 : f32 to vector<16xf32>
            %mul3A_543 = arith.mulf %add3A_540, %mul3A_542 : vector<16xf32>
            %add3A_544 = vector.broadcast %convert_element_type3A_9 : f32 to vector<16xf32>
            %add3A_545 = arith.addf %mul3A_543, %add3A_544 : vector<16xf32>
            %mul3A_546 = arith.constant 2.000000e+00 : f32
            %mul3A_547 = vector.broadcast %mul3A_546 : f32 to vector<16xf32>
            %mul3A_548 = arith.mulf %add3A_545, %mul3A_547 : vector<16xf32>
            %ge3A_549 = vector.broadcast %add3A_391 : f32 to vector<16xf32>
            %ge3A_550 = arith.cmpf oge, %mul3A_539, %ge3A_549 : vector<16xf32>
            %jit3A_551 = arith.constant 1.000000e+00 : f32
            %jit3A_552 = arith.constant 0.000000e+00 : f32
            %broadcast_in_dim3A_553 = vector.broadcast %jit3A_551 : f32 to vector<16xf32>
            %broadcast_in_dim3A_554 = vector.broadcast %jit3A_552 : f32 to vector<16xf32>
            %select_n3A_555 = arith.select %ge3A_550, %broadcast_in_dim3A_553, %broadcast_in_dim3A_554 : vector<16xi1>, vector<16xf32>
            %add3A_556 = vector.broadcast %mul3A_13 : f32 to vector<16xf32>
            %add3A_557 = arith.addf %convert_element_type3A_529, %add3A_556 : vector<16xf32>
            %add3A_558 = arith.constant 1.000000e+00 : f32
            %add3A_559 = vector.broadcast %add3A_558 : f32 to vector<16xf32>
            %add3A_560 = arith.addf %add3A_557, %add3A_559 : vector<16xf32>
            %ge3A_561 = arith.cmpf oge, %mul3A_548, %add3A_560 : vector<16xf32>
            %jit3A_562 = arith.constant 1.000000e+00 : f32
            %jit3A_563 = arith.constant 0.000000e+00 : f32
            %broadcast_in_dim3A_564 = vector.broadcast %jit3A_562 : f32 to vector<16xf32>
            %broadcast_in_dim3A_565 = vector.broadcast %jit3A_563 : f32 to vector<16xf32>
            %select_n3A_566 = arith.select %ge3A_561, %broadcast_in_dim3A_564, %broadcast_in_dim3A_565 : vector<16xi1>, vector<16xf32>
            %gt3A_567 = arith.constant 0 : i32
            %gt3A_568 = vector.broadcast %gt3A_567 : i32 to vector<16xi32>
            %gt3A_569 = arith.cmpi sgt, %get3A_519, %gt3A_568 : vector<16xi32>
            %ge3A_570 = arith.constant 0 : i32
            %ge3A_571 = vector.broadcast %ge3A_570 : i32 to vector<16xi32>
            %ge3A_572 = arith.cmpi sge, %sub3A_516, %ge3A_571 : vector<16xi32>
            %and3A_573 = arith.andi %gt3A_569, %ge3A_572 : vector<16xi1>
            %lt3A_574 = arith.constant 1024 : i32
            %lt3A_575 = vector.broadcast %lt3A_574 : i32 to vector<16xi32>
            %lt3A_576 = arith.cmpi slt, %sub3A_516, %lt3A_575 : vector<16xi32>
            %and3A_577 = arith.andi %and3A_573, %lt3A_576 : vector<16xi1>
            %jit3A_578 = arith.constant 1.000000e+00 : f32
            %jit3A_579 = arith.constant 0.000000e+00 : f32
            %broadcast_in_dim3A_580 = vector.broadcast %jit3A_578 : f32 to vector<16xf32>
            %broadcast_in_dim3A_581 = vector.broadcast %jit3A_579 : f32 to vector<16xf32>
            %select_n3A_582 = arith.select %and3A_577, %broadcast_in_dim3A_580, %broadcast_in_dim3A_581 : vector<16xi1>, vector<16xf32>
            %mul3A_583 = arith.mulf %select_n3A_582, %select_n3A_555 : vector<16xf32>
            %mul3A_584 = arith.mulf %mul3A_583, %select_n3A_566 : vector<16xf32>
            %mul3A_585 = vector.broadcast %select_n3A_388 : f32 to vector<16xf32>
            %mul3A_586 = arith.mulf %mul3A_584, %mul3A_585 : vector<16xf32>
            %sub3A_587 = vector.broadcast %add3A_394 : f32 to vector<16xf32>
            %sub3A_588 = arith.subf %mul3A_539, %sub3A_587 : vector<16xf32>
            %add3A_589 = vector.broadcast %mul3A_13 : f32 to vector<16xf32>
            %add3A_590 = arith.addf %convert_element_type3A_529, %add3A_589 : vector<16xf32>
            %add3A_591 = arith.constant 1.000000e+00 : f32
            %add3A_592 = vector.broadcast %add3A_591 : f32 to vector<16xf32>
            %add3A_593 = arith.addf %add3A_590, %add3A_592 : vector<16xf32>
            %sub3A_594 = arith.subf %mul3A_548, %add3A_593 : vector<16xf32>
            %add3A_595 = arith.addf %add3A_493, %mul3A_586 : vector<16xf32>
            %mul3A_596 = arith.mulf %get3A_522, %mul3A_586 : vector<16xf32>
            %add3A_597 = arith.addf %add3A_495, %mul3A_596 : vector<16xf32>
            %mul3A_598 = arith.mulf %sub3A_588, %mul3A_586 : vector<16xf32>
            %add3A_599 = arith.addf %add3A_497, %mul3A_598 : vector<16xf32>
            %mul3A_600 = arith.mulf %sub3A_594, %mul3A_586 : vector<16xf32>
            %add3A_601 = arith.addf %add3A_499, %mul3A_600 : vector<16xf32>
            %mul3A_602 = arith.constant 1024 : i32
            %mul3A_603 = arith.muli %scan3A_40, %mul3A_602 : i32
            %add3A_604 = arith.addi %mul3A_603, %mul3A_131 : i32
            %min3A_605 = arith.constant 1.000000e+00 : f32
            %min3A_606 = vector.broadcast %min3A_605 : f32 to vector<16xf32>
            %min3A_607 = arith.minimumf %add3A_595, %min3A_606 : vector<16xf32>
            %convert_element_type3A_608 = arith.fptosi %min3A_607 : vector<16xf32> to vector<16xi32>
            %swap3A = arith.index_cast %add3A_604 : i32 to index
            %swap3A_609 = tpu.vector_load %arg16[%swap3A] {strides = array<i32>} : memref<8192xi32, #tpu.memory_space<vmem>>, vector<16xi32>,
            %swap3A_610 = vector.shape_cast %swap3A_609 : vector<16xi32> to vector<16xi32>
            %swap3A_611 = vector.shape_cast %convert_element_type3A_608 : vector<16xi32> to vector<16xi32>
            tpu.vector_store %arg16[%swap3A], %swap3A_611 {strides = array<i32>} : memref<8192xi32, #tpu.memory_space<vmem>>, vector<16xi32>,
            %swap3A_612 = arith.index_cast %add3A_604 : i32 to index
            %swap3A_613 = tpu.vector_load %arg19[%swap3A_612] {strides = array<i32>} : memref<8192xf32, #tpu.memory_space<vmem>>, vector<16xf32>,
            %swap3A_614 = vector.shape_cast %swap3A_613 : vector<16xf32> to vector<16xf32>
            %swap3A_615 = vector.shape_cast %add3A_597 : vector<16xf32> to vector<16xf32>
            tpu.vector_store %arg19[%swap3A_612], %swap3A_615 {strides = array<i32>} : memref<8192xf32, #tpu.memory_space<vmem>>, vector<16xf32>,
            %swap3A_616 = arith.index_cast %add3A_604 : i32 to index
            %swap3A_617 = tpu.vector_load %arg17[%swap3A_616] {strides = array<i32>} : memref<8192xf32, #tpu.memory_space<vmem>>, vector<16xf32>,
            %swap3A_618 = vector.shape_cast %swap3A_617 : vector<16xf32> to vector<16xf32>
            %swap3A_619 = vector.shape_cast %add3A_599 : vector<16xf32> to vector<16xf32>
            tpu.vector_store %arg17[%swap3A_616], %swap3A_619 {strides = array<i32>} : memref<8192xf32, #tpu.memory_space<vmem>>, vector<16xf32>,
            %swap3A_620 = arith.index_cast %add3A_604 : i32 to index
            %swap3A_621 = tpu.vector_load %arg18[%swap3A_620] {strides = array<i32>} : memref<8192xf32, #tpu.memory_space<vmem>>, vector<16xf32>,
            %swap3A_622 = vector.shape_cast %swap3A_621 : vector<16xf32> to vector<16xf32>
            %swap3A_623 = vector.shape_cast %add3A_601 : vector<16xf32> to vector<16xf32>
            tpu.vector_store %arg18[%swap3A_620], %swap3A_623 {strides = array<i32>} : memref<8192xf32, #tpu.memory_space<vmem>>, vector<16xf32>,
          }
          %scan3A_127 = arith.constant 64 : i32
          %cond3A_128 = arith.constant 0 : i32
          scf.yield %cond3A_128 : i32
        } else {
          %cond3A_122 = arith.constant 0 : i32
          scf.yield %cond3A_122 : i32
        }
      }
      %scan3A_36 = arith.constant 8 : i32
      %mul3A_37 = arith.constant 1024 : i32
      %mul3A_38 = arith.muli %add3A_25, %mul3A_37 : i32
      %multiple_of3A_39 = tpu.assume_multiple %mul3A_38, 128 : i32
      "tpu.region"() ({
        %run_scoped3A = tpu.sem_alloc : memref<!tpu.dma_semaphore, #tpu.memory_space<semaphore_mem>>
        %dma_start3A = tpu.memref_slice %arg7[%multiple_of3A_39] : memref<1048576xi32, #tpu.memory_space<hbm>> -> memref<8192xi32, #tpu.memory_space<hbm>>
        %dma_start3A_40 = tpu.memref_slice %arg7[%multiple_of3A_39] : memref<1048576xi32, #tpu.memory_space<hbm>> -> memref<8192xi32, #tpu.memory_space<hbm>>
        tpu.enqueue_dma source(%arg16 : memref<8192xi32, #tpu.memory_space<vmem>>) target(%dma_start3A_40 : memref<8192xi32, #tpu.memory_space<hbm>>) target_semaphore(%run_scoped3A : memref<!tpu.dma_semaphore, #tpu.memory_space<semaphore_mem>>)
        %dma_wait3A = tpu.memref_slice %arg7[%multiple_of3A_39] : memref<1048576xi32, #tpu.memory_space<hbm>> -> memref<8192xi32, #tpu.memory_space<hbm>>
        %dma_wait3A_41 = tpu.memref_slice %arg7[%multiple_of3A_39] : memref<1048576xi32, #tpu.memory_space<hbm>> -> memref<8192xi32, #tpu.memory_space<hbm>>
        tpu.wait_dma2 semaphore(%run_scoped3A : memref<!tpu.dma_semaphore, #tpu.memory_space<semaphore_mem>>) src(%arg16 : memref<8192xi32, #tpu.memory_space<vmem>>) dst(%dma_wait3A_41 : memref<8192xi32, #tpu.memory_space<hbm>>)
        tpu.yield
      }) : () -> ()
      "tpu.region"() ({
        %run_scoped3A = tpu.sem_alloc : memref<!tpu.dma_semaphore, #tpu.memory_space<semaphore_mem>>
        %dma_start3A = tpu.memref_slice %arg10[%multiple_of3A_39] : memref<1048576xf32, #tpu.memory_space<hbm>> -> memref<8192xf32, #tpu.memory_space<hbm>>
        %dma_start3A_40 = tpu.memref_slice %arg10[%multiple_of3A_39] : memref<1048576xf32, #tpu.memory_space<hbm>> -> memref<8192xf32, #tpu.memory_space<hbm>>
        tpu.enqueue_dma source(%arg19 : memref<8192xf32, #tpu.memory_space<vmem>>) target(%dma_start3A_40 : memref<8192xf32, #tpu.memory_space<hbm>>) target_semaphore(%run_scoped3A : memref<!tpu.dma_semaphore, #tpu.memory_space<semaphore_mem>>)
        %dma_wait3A = tpu.memref_slice %arg10[%multiple_of3A_39] : memref<1048576xf32, #tpu.memory_space<hbm>> -> memref<8192xf32, #tpu.memory_space<hbm>>
        %dma_wait3A_41 = tpu.memref_slice %arg10[%multiple_of3A_39] : memref<1048576xf32, #tpu.memory_space<hbm>> -> memref<8192xf32, #tpu.memory_space<hbm>>
        tpu.wait_dma2 semaphore(%run_scoped3A : memref<!tpu.dma_semaphore, #tpu.memory_space<semaphore_mem>>) src(%arg19 : memref<8192xf32, #tpu.memory_space<vmem>>) dst(%dma_wait3A_41 : memref<8192xf32, #tpu.memory_space<hbm>>)
        tpu.yield
      }) : () -> ()
      "tpu.region"() ({
        %run_scoped3A = tpu.sem_alloc : memref<!tpu.dma_semaphore, #tpu.memory_space<semaphore_mem>>
        %dma_start3A = tpu.memref_slice %arg8[%multiple_of3A_39] : memref<1048576xf32, #tpu.memory_space<hbm>> -> memref<8192xf32, #tpu.memory_space<hbm>>
        %dma_start3A_40 = tpu.memref_slice %arg8[%multiple_of3A_39] : memref<1048576xf32, #tpu.memory_space<hbm>> -> memref<8192xf32, #tpu.memory_space<hbm>>
        tpu.enqueue_dma source(%arg17 : memref<8192xf32, #tpu.memory_space<vmem>>) target(%dma_start3A_40 : memref<8192xf32, #tpu.memory_space<hbm>>) target_semaphore(%run_scoped3A : memref<!tpu.dma_semaphore, #tpu.memory_space<semaphore_mem>>)
        %dma_wait3A = tpu.memref_slice %arg8[%multiple_of3A_39] : memref<1048576xf32, #tpu.memory_space<hbm>> -> memref<8192xf32, #tpu.memory_space<hbm>>
        %dma_wait3A_41 = tpu.memref_slice %arg8[%multiple_of3A_39] : memref<1048576xf32, #tpu.memory_space<hbm>> -> memref<8192xf32, #tpu.memory_space<hbm>>
        tpu.wait_dma2 semaphore(%run_scoped3A : memref<!tpu.dma_semaphore, #tpu.memory_space<semaphore_mem>>) src(%arg17 : memref<8192xf32, #tpu.memory_space<vmem>>) dst(%dma_wait3A_41 : memref<8192xf32, #tpu.memory_space<hbm>>)
        tpu.yield
      }) : () -> ()
      "tpu.region"() ({
        %run_scoped3A = tpu.sem_alloc : memref<!tpu.dma_semaphore, #tpu.memory_space<semaphore_mem>>
        %dma_start3A = tpu.memref_slice %arg9[%multiple_of3A_39] : memref<1048576xf32, #tpu.memory_space<hbm>> -> memref<8192xf32, #tpu.memory_space<hbm>>
        %dma_start3A_40 = tpu.memref_slice %arg9[%multiple_of3A_39] : memref<1048576xf32, #tpu.memory_space<hbm>> -> memref<8192xf32, #tpu.memory_space<hbm>>
        tpu.enqueue_dma source(%arg18 : memref<8192xf32, #tpu.memory_space<vmem>>) target(%dma_start3A_40 : memref<8192xf32, #tpu.memory_space<hbm>>) target_semaphore(%run_scoped3A : memref<!tpu.dma_semaphore, #tpu.memory_space<semaphore_mem>>)
        %dma_wait3A = tpu.memref_slice %arg9[%multiple_of3A_39] : memref<1048576xf32, #tpu.memory_space<hbm>> -> memref<8192xf32, #tpu.memory_space<hbm>>
        %dma_wait3A_41 = tpu.memref_slice %arg9[%multiple_of3A_39] : memref<1048576xf32, #tpu.memory_space<hbm>> -> memref<8192xf32, #tpu.memory_space<hbm>>
        tpu.wait_dma2 semaphore(%run_scoped3A : memref<!tpu.dma_semaphore, #tpu.memory_space<semaphore_mem>>) src(%arg18 : memref<8192xf32, #tpu.memory_space<vmem>>) dst(%dma_wait3A_41 : memref<8192xf32, #tpu.memory_space<hbm>>)
        tpu.yield
      }) : () -> ()
    }
    %scan3A_19 = arith.constant 4 : i32
    return
  }
}

module attributes {stable_mosaic.version = 14 : i64} {
  func.func @_img_body(%arg0: memref<2xi32, #tpu.memory_space<smem>>, %arg1: memref<5x512x512xf32, #tpu.memory_space<vmem>>, %arg2: memref<5x512x512xf32, #tpu.memory_space<vmem>>) attributes {dimension_semantics = [], scalar_prefetch = 0 : i64, scratch_operands = 0 : i64, tpu.core_type = #tpu.core_type<tc>} {
    %get3A = arith.constant 0 : index
    %get3A_0 = memref.load %arg0[%get3A] : memref<2xi32, #tpu.memory_space<smem>>
    %get3A_1 = arith.constant 1 : index
    %get3A_2 = memref.load %arg0[%get3A_1] : memref<2xi32, #tpu.memory_space<smem>>
    %get3A_3 = arith.constant 0 : index
    %get3A_4 = arith.constant 0 : index
    %get3A_5 = arith.constant 0 : index
    %get3A_6 = vector.load %arg1[%get3A_3, %get3A_4, %get3A_5] : memref<5x512x512xf32, #tpu.memory_space<vmem>>, vector<5x512x512xf32>
    %jit3A = arith.constant 512 : i32
    %eq3A = arith.constant 0 : i32
    %eq3A_7 = arith.cmpi eq, %jit3A, %eq3A : i32
    %jit3A_8 = arith.constant 1 : i32
    %select_n3A = arith.select %eq3A_7, %jit3A_8, %jit3A : i32
    %rem3A = arith.remsi %get3A_0, %select_n3A : i32
    %ne3A = arith.constant 0 : i32
    %ne3A_9 = arith.cmpi ne, %rem3A, %ne3A : i32
    %lt3A = arith.constant 0 : i32
    %lt3A_10 = arith.cmpi slt, %rem3A, %lt3A : i32
    %lt3A_11 = arith.constant 0 : i32
    %lt3A_12 = arith.cmpi slt, %select_n3A, %lt3A_11 : i32
    %ne3A_13 = arith.xori %lt3A_10, %lt3A_12 : i1
    %and3A = arith.andi %ne3A_13, %ne3A_9 : i1
    %add3A = arith.addi %rem3A, %select_n3A : i32
    %select_n3A_14 = arith.select %and3A, %add3A, %rem3A : i32
    %roll3A = tpu.dynamic_rotate %get3A_6 by %select_n3A_14 dim 1 : vector<5x512x512xf32>, i32 -> vector<5x512x512xf32>
    %jit3A_15 = arith.constant 512 : i32
    %eq3A_16 = arith.constant 0 : i32
    %eq3A_17 = arith.cmpi eq, %jit3A_15, %eq3A_16 : i32
    %jit3A_18 = arith.constant 1 : i32
    %select_n3A_19 = arith.select %eq3A_17, %jit3A_18, %jit3A_15 : i32
    %rem3A_20 = arith.remsi %get3A_2, %select_n3A_19 : i32
    %ne3A_21 = arith.constant 0 : i32
    %ne3A_22 = arith.cmpi ne, %rem3A_20, %ne3A_21 : i32
    %lt3A_23 = arith.constant 0 : i32
    %lt3A_24 = arith.cmpi slt, %rem3A_20, %lt3A_23 : i32
    %lt3A_25 = arith.constant 0 : i32
    %lt3A_26 = arith.cmpi slt, %select_n3A_19, %lt3A_25 : i32
    %ne3A_27 = arith.xori %lt3A_24, %lt3A_26 : i1
    %and3A_28 = arith.andi %ne3A_27, %ne3A_22 : i1
    %add3A_29 = arith.addi %rem3A_20, %select_n3A_19 : i32
    %select_n3A_30 = arith.select %and3A_28, %add3A_29, %rem3A_20 : i32
    %roll3A_31 = tpu.dynamic_rotate %roll3A by %select_n3A_30 dim 2 : vector<5x512x512xf32>, i32 -> vector<5x512x512xf32>
    %swap3A = arith.constant 0 : index
    %swap3A_32 = arith.constant 0 : index
    %swap3A_33 = arith.constant 0 : index
    %swap3A_34 = vector.load %arg2[%swap3A, %swap3A_32, %swap3A_33] : memref<5x512x512xf32, #tpu.memory_space<vmem>>, vector<5x512x512xf32>
    tpu.vector_store %arg2[%swap3A, %swap3A_32, %swap3A_33], %roll3A_31 {strides = array<i32>} : memref<5x512x512xf32, #tpu.memory_space<vmem>>, vector<5x512x512xf32>,
    return
  }
}

</mosaic_0001>

<sc_bundles>
// kernel: kernel.4.cloned.1.call-start
scs
__scs_entry_jumppad:
0x0: {  	(pc) =	sbr.rel $0x88, $3  }
0x1: {  	(tag) =	ssettag $0x0;
	lr =	simm.s32 $0x1  }
0x2: {  	[smem:$0x3F9A] =	sst lr;
	_ =	strace $0xD0000000  }
0x3: {  	_ = 	snop  }
0x4: {  	_ = 	snop  }
0x5: {  	_ = 	snop  }
0x6: {  	_ = 	snop  }
0x7: {  	_ = 	snop  }
__scs_overlays_trampoline_lowered:
0x8: {  	[smem:$0x3FA9] =	sst s0  }
0x9: {  	[smem:$0x3FAA] =	sst s1  }
0xa: {  	[smem:$0x3FAB] =	sst s2  }
0xb: {  	[smem:$0x3FAC] =	sst s3  }
0xc: {  	[smem:$0x3FAD] =	sst s4  }
0xd: {  	[smem:$0x3FAE] =	sst s5  }
0xe: {  	[smem:$0x3FAF] =	sst s6  }
0xf: {  	[smem:$0x3FB0] =	sst s7  }
0x10: {  	[smem:$0x3FB1] =	sst s8  }
0x11: {  	[smem:$0x3FB2] =	sst s9;
	s0 =	simm.s32 @!p0 $0x0  }
0x12: {  	s1 =	sld [smem:$0x3F98];
	s0 =	simm.s32 @p0 $0x1  }
0x13: {  	[smem:$0x3FB3] =	sst s0;
	s0 =	simm.s32 @!p1 $0x0  }
0x14: {  	s2 =	sld [smem:$0x3F97];
	s0 =	simm.s32 @p1 $0x1  }
0x15: {  	[smem:$0x3FB4] =	sst s0;
	s0 =	simm.s32 @!p2 $0x0  }
0x16: {  	s3 =	sld [smem:$0x3FDB];
	s0 =	simm.s32 @p2 $0x1  }
0x17: {  	s4 =	simm.s32 $0x1BF5;
	[smem:$0x3FB6] =	sst s0  }
0x18: {  	s0 =	sld [smem:$0x3F99];
	_ =	swait.ge [sflag:s4], $0x0  }
0x19: {  	s7 =	sld [smem:$0x3F9A]  }
0x1a: {  	s8 =	sadd.s32 $0xFFFFE003, lr  }
0x1b: {  	s9 =	sadd.s32 $0xFFFFFEF7, lr;
	s5 =	simm.s32 $0xFFFFFFFF;
	p2 =	slt.u32 s8, $0xFFFFF086  }
0x1c: {  	p1 =	slt.u32 s9, $0xF7A;
	s5 =	simm.s32 @!p2 $0x0  }
0x1d: {  	s5 =	simm.s32 @p1 $0x1;
	p0 =	seq.s32 s7, s2  }
0x1e: {  	s7 =	smul.u32 @!p0 $0xF7A, s2;
	p2 =	seq.s32 @!p0 s5, $0x0  }
0x1f: {  	s9 =	smul.u32 $0xF7A, s1;
	s8 =	simm.s32 @!p0 $0x1BF5;
	p2 =	por !p2, p0  }
0x20: {  	[sflag:s8] =	ssyncset.s32 @!p0 $0xFFFFF086;
	s6 =	sadd.s32 @!p0 s3, s7;
	s7 =	simm.s32 @!p0 $0x108  }
0x21: {  	s3 =	sadd.s32 s3, s9;
	s6 =	sadd.s32 @!p0 $0x88, s6;
	s7 =	simm.s32 @p2 $0x1082  }
0x22: {  	[simem:s7], [sflag:s8] =	dma.local @!p0 [hbm:s6], $0xF7A  }
0x23: {  	s9 =	sor.u32 $0xD0000000, s2;
	s6 =	simm.s32 $0x108;
	_ =	swait.ge @!p0 [sflag:s8], $0x0  }
0x24: {  	s3 =	sadd.s32 $0x88, s3;
	s6 =	simm.s32 @!p1 $0x1082;
	[sflag:s4] =	ssyncset.s32 $0xFFFFF086  }
0x25: {  	[simem:s6], [sflag:s4] =	dma.local [hbm:s3], $0xF7A  }
0x26: {  	[smem:$0x3F9A] =	sst s1;
	(tag) =	ssettag s2;
	_ =	strace s9  }
0x27: {  	s1 =	sld [smem:$0x3FAA]  }
0x28: {  	s2 =	sld [smem:$0x3FAB]  }
0x29: {  	s4 =	sld [smem:$0x3FAD]  }
0x2a: {  	p0 =	seq.s32 s5, $0x0;
	s5 =	sld [smem:$0x3FAE]  }
0x2b: {  	s6 =	sld [smem:$0x3FAF]  }
0x2c: {  	s7 =	sld [smem:$0x3FB0]  }
0x2d: {  	s3 =	simm.s32 $0x108;
	s8 =	sld [smem:$0x3FB1]  }
0x2e: {  	s3 =	simm.s32 @!p0 $0x1082;
	s9 =	sld [smem:$0x3FB2]  }
0x2f: {  	lr =	sadd.s32 s0, s3;
	s0 =	sld [smem:$0x3FA9]  }
0x30: {  	s3 =	sld [smem:$0x3FAC]  }
0x31: {  	[smem:$0x3FB5] =	sst s10  }
0x32: {  	s10 =	sld [smem:$0x3FB3];
	_ =	sdelay $0x3  }
0x33: {  	p0 =	seq.s32 s10, $0x1;
	s10 =	sld [smem:$0x3FB5];
	_ =	sdelay $0x3  }
0x34: {  	[smem:$0x3FB5] =	sst s10  }
0x35: {  	s10 =	sld [smem:$0x3FB4];
	_ =	sdelay $0x3  }
0x36: {  	p1 =	seq.s32 s10, $0x1;
	s10 =	sld [smem:$0x3FB5];
	_ =	sdelay $0x3  }
0x37: {  	[smem:$0x3FB5] =	sst s10  }
0x38: {  	s10 =	sld [smem:$0x3FB6]  }
0x39: {  	_ = 	snop;
	(pc) =	sbr.ind lr, $3  }
0x3a: {  	_ = 	snop  }
0x3b: {  	_ = 	snop  }
0x3c: {  	p2 =	seq.s32 s10, $0x1;
	s10 =	sld [smem:$0x3FB5]  }
0x3d: {  	_ =	shalt  }
0x3e: {  	_ =	shalt  }
0x3f: {  	_ =	shalt  }
0x40: {  	_ =	shalt  }
0x41: {  	_ =	shalt  }
0x42: {  	_ =	shalt  }
0x43: {  	_ =	shalt  }
0x44: {  	_ =	shalt  }
0x45: {  	_ =	shalt  }
0x46: {  	_ =	shalt  }
0x47: {  	_ =	shalt  }
0x48: {  	_ =	shalt  }
0x49: {  	_ =	shalt  }
0x4a: {  	_ =	shalt  }
0x4b: {  	_ =	shalt  }
0x4c: {  	_ =	shalt  }
0x4d: {  	_ =	shalt  }
0x4e: {  	_ =	shalt  }
0x4f: {  	_ =	shalt  }
0x50: {  	_ =	shalt  }
0x51: {  	_ =	shalt  }
0x52: {  	_ =	shalt  }
0x53: {  	_ =	shalt  }
0x54: {  	_ =	shalt  }
0x55: {  	_ =	shalt  }
0x56: {  	_ =	shalt  }
0x57: {  	_ =	shalt  }
0x58: {  	_ =	shalt  }
0x59: {  	_ =	shalt  }
0x5a: {  	_ =	shalt  }
0x5b: {  	_ =	shalt  }
0x5c: {  	_ =	shalt  }
0x5d: {  	_ =	shalt  }
0x5e: {  	_ =	shalt  }
0x5f: {  	_ =	shalt  }
0x60: {  	_ =	shalt  }
0x61: {  	_ =	shalt  }
0x62: {  	_ =	shalt  }
0x63: {  	_ =	shalt  }
0x64: {  	_ =	shalt  }
0x65: {  	_ =	shalt  }
0x66: {  	_ =	shalt  }
0x67: {  	_ =	shalt  }
0x68: {  	_ =	shalt  }
0x69: {  	_ =	shalt  }
0x6a: {  	_ =	shalt  }
0x6b: {  	_ =	shalt  }
0x6c: {  	_ =	shalt  }
0x6d: {  	_ =	shalt  }
0x6e: {  	_ =	shalt  }
0x6f: {  	_ =	shalt  }
0x70: {  	_ =	shalt  }
0x71: {  	_ =	shalt  }
0x72: {  	_ =	shalt  }
0x73: {  	_ =	shalt  }
0x74: {  	_ =	shalt  }
0x75: {  	_ =	shalt  }
0x76: {  	_ =	shalt  }
0x77: {  	_ =	shalt  }
0x78: {  	_ =	shalt  }
0x79: {  	_ =	shalt  }
0x7a: {  	_ =	shalt  }
0x7b: {  	_ =	shalt  }
0x7c: {  	_ =	shalt  }
0x7d: {  	_ =	shalt  }
0x7e: {  	_ =	shalt  }
0x7f: {  	_ =	shalt  }
0x80: {  	_ =	shalt  }
0x81: {  	_ =	shalt  }
0x82: {  	_ =	shalt  }
0x83: {  	_ =	shalt  }
0x84: {  	_ =	shalt  }
0x85: {  	_ =	shalt  }
0x86: {  	_ =	shalt  }
0x87: {  	_ =	shalt  }
.Lfunc_end0:
.L_simem_size_0:
called_computation_lowered:
.L_overlay_start_0:
0x88: {  	s2 =	sld [smem:$0x3FD9]  }
0x89: {  	s3 =	sld [smem:$0x3FFE];
	_ =	sdelay $0x1  }
0x8a: {  	s1 =	srdreg.scid  }
0x8b: {  	s0 =	sand.u32 $0x1, s1  }
0x8c: {  	s14 =	sshll.u32 s0, $0xA;
	s2 =	sadd.s32 s3, s2  }
0x8d: {  	s2 =	sadd.s32 s2, s14  }
0x8e: {  	[smem:$0x3FC1] =	sst s2  }
0x8f: {  	_ = 	snop  }
0x90: {  	s2 =	sld [smem:$0x3FD0];
	_ =	sdelay $0x2  }
0x91: {  	s4 =	simm.s32 $0xA;
	s5 =	simm.s32 $0x10;
	s15 =	sld [smem:$0x3FC5]  }
0x92: {  	[smem:s5], [sflag:s4] =	dma.local [hbm:s2], $0x1  }
0x93: {  	_ =	swait.eq [sflag:s4], $0x1  }
0x94: {  	s16 =	sld [smem:$0x12];
	[sflag:s4] =	ssyncset.done $0x0  }
0x95: {  	s17 =	sld [smem:$0x13];
	[sflag:s4] =	ssyncadd.s32 $0xFFFFFFFF  }
0x96: {  	s18 =	sld [smem:$0x14];
	(tm) =	ssettm $0x1  }
0x97: {  	s6 =	sld [smem:$0x3FFB];
	_ =	sdelay $0x3  }
0x98: {  	_ =	strace s6  }
0x99: {  	s6 =	sld [smem:$0x3FFC];
	_ =	sdelay $0x3  }
0x9a: {  	_ =	strace s6  }
0x9b: {  	s6 =	sld [smem:$0x3FFD];
	_ =	sdelay $0x3  }
0x9c: {  	_ =	strace s6  }
0x9d: {  	_ =	strace $0x8FFFFFFF  }
0x9e: {  	s19 =	sld [smem:$0x3FDB];
	_ =	sdelay $0x1  }
0x9f: {  	s7 =	simm.s32 $_scs_section_size  }
0xa0: {  	s8 =	simm.s32 $_size__tile_overlayer_lowered;
	s9 =	simm.s32 $_tile_overlayer_lowered  }
0xa1: {  	s22 =	simm.s32 $0x1BFF;
	s21 =	sshll.u32 s9, $0x1;
	s6 =	sadd.s32 s7, s19  }
0xa2: {  	s10 =	simm.s32 $0x0;
	s20 =	sshll.u32 s8, $0x1;
	s8 =	sadd.s32 s21, s6  }
0xa3: {  	[timem:s10], [sflag:s22] =	dma.local [hbm:s8], s20  }
0xa4: {  	_ =	swait.ge [sflag:s22], s20  }
0xa5: {  	s7 =	ssub.s32 $0x0, s20;
	[sflag:s22] =	ssyncset.done $0x0  }
0xa6: {  	[sflag:s22] =	ssyncadd.s32 s7;
	_ =	sdelay $0x1  }
0xa7: {  	s23 =	simm.s32 $0x1B8B  }
0xa8: {  	_ =	swait.ge [sflag:s23], $0x1  }
0xa9: {  	[sflag:s23] =	ssyncset.done $0x0  }
0xaa: {  	s25 =	simm.s32 $0x1B8E;
	s24 =	sld [smem:$0x3FFE];
	[sflag:s23] =	ssyncadd.s32 $0xFFFFFFFF  }
0xab: {  	s26 =	simm.s32 $execute0_lowered;
	[smem:$0x3FD2] =	sst s25  }
0xac: {  	s8 =	sshll.u32 s26, $0x1;
	_ =	strace $0x80000046;
	[dreg:$0x1] =	wrdreg $0xFFFFFFFF  }
0xad: {  	s28 =	simm.s32 $_size_execute0_lowered;
	s6 =	sadd.s32 s6, s8;
	[dreg:$0x0] =	wrdreg $0x0  }
0xae: {  	s8 =	sshll.u32 s28, $0x1;
	[dreg:$0x2] =	wrdreg s6  }
0xaf: {  	[dreg:$0x3] =	wrdreg s8  }
0xb0: {  	[dreg:$0x4] =	wrdreg $0xC0  }
0xb1: {  	_ =	task [dreg:s10], $0x5FFFF  }
0xb2: {  	[dreg:$0x1] =	wrdreg $0xFFFFFFFF  }
0xb3: {  	[dreg:$0x0] =	wrdreg $0x60  }
0xb4: {  	[dreg:$0x2] =	wrdreg s24  }
0xb5: {  	[dreg:$0x3] =	wrdreg s18  }
0xb6: {  	[dreg:$0x4] =	wrdreg s16  }
0xb7: {  	[dreg:$0x5] =	wrdreg s15  }
0xb8: {  	[dreg:$0x6] =	wrdreg s17  }
0xb9: {  	[dreg:$0x7] =	wrdreg $0x9  }
0xba: {  	_ =	task.clear_ibuf [dreg:s10], $0x8FFFF;
	_ =	strace $0x90000046  }
0xbb: {  	s29 =	simm.s32 $0x9;
	_ =	strace $0x80000048  }
0xbc: {  	_ =	swait.ge [sflag:s29], $0x1  }
0xbd: {  	[sflag:s29] =	ssyncadd.s32 $0xFFFFFFFF  }
0xbe: {  	_ =	strace $0x90000048  }
0xbf: {  	_ =	sfence  }
0xc0: {  	s30 =	sld [smem:$0x0];
	_ =	sdelay $0x2  }
0xc1: {  	s31 =	sshll.u32 s1, $0xD;
	s1 =	sshrl.u32 s1, $0x2  }
0xc2: {  	s3 =	sand.u32 $0x4000, s31;
	s1 =	sadd.s32 s1, s30  }
0xc3: {  	s0 =	sor.u32 s3, s0;
	s1 =	sshll.u32 s1, $0x11  }
0xc4: {  	s0 =	sor.u32 s1, s0  }
0xc5: {  	s0 =	sadd.s32 $0x8F2B, s0  }
0xc6: {  	[sflag:s0] =	ssyncadd.remote.s32 $0x1  }
0xc7: {  	_ =	sfence.sel $0xFFFF  }
0xc8: {  	[dreg:$0x0] =	wrdreg $0xFFFFFFFF;
	(pc) =	sbr.abs _section_cstart, $3  }
0xc9: {  	[dreg:$0x1] =	wrdreg $0xFFFFFFFF  }
0xca: {  	_ =	task.clear_ibuf [dreg:s10], $0x2FFFF;
	_ =	strace $0x9FFFFFFF  }
0xcb: {  	(tm) =	ssettm $0x7FFFFFFF  }
tec
execute0_lowered:
.L_overlay_start_1:
0x0: {  	(tag) =	ssettag $0x1  }
0x1: {  	s0 =	rddreg [dreg:$0x0];
	s5 =	simm.s32 $0x0;
	s23 =	srdreg.scid  }
0x2: {  	s7 =	stileid.u32;
	[smem:$0x7FF] =	sst s5;
	s1 =	sadd.s32 $0x21C00, s0  }
0x3: {  	s2 =	sadd.s32 $0x1C00, s0;
	_ =	strace $0x80000047;
	[dreg:$0x6] =	wrdreg s1  }
0x4: {  	s24 =	sadd.s32 $0x21E00, s0;
	s25 =	sadd.s32 $0x41E00, s0;
	[dreg:$0x7] =	wrdreg s2  }
0x5: {  	s4 =	sshll.u32 s7, $0x6;
	s0 =	sadd.s32 $0x61E00, s0;
	[dreg:$0x8] =	wrdreg s24  }
0x6: {  	s30 =	sshll.u32 s7, $0x10;
	s1 =	sand.u32 $0x1, s23;
	[dreg:$0x9] =	wrdreg s25  }
0x7: {  	[dreg:$0xa] =	wrdreg s0;
	s26 =	ssub.s32 $0x2, s1;
	s6 =	sshll.u32 s1, $0x5  }
.Ltmp0:
0x8: {  	s3 =	sshrl.u32 s26, $0x1;
	s29 =	sor.u32 s6, s4;
	(pc) =	sbr.rel .LBB2_1-.Ltmp0, $4  }
0x9: {  	s28 =	ssub.s32 s26, s3;
	[dreg:$0xb] =	wrdreg s29;
	s31 =	sadd.s32 $0xFFFFFFFF, s29  }
0xa: {  	s1 =	sshll.u32 s1, $0xF;
	s0 =	smax.u32 s28, $0x1;
	[dreg:$0xe] =	wrdreg s31  }
0xb: {  	s16 =	simm.s32 $0x1;
	[dreg:$0xc] =	wrdreg s0;
	s0 =	sor.u32 s1, s30  }
0xc: {  	v0 =	vlaneseq.u32;
	v1 =	vimm.f32 $0.0e+00;
	s13 =	simm.s32 $0x0;
	s1 =	simm.s32 $0x0;
	[dreg:$0xd] =	wrdreg s0  }
.LBB2_11:
0xd: {  	s1 =	rddreg [dreg:$0xf]  }
0xe: {  	s0 =	rddreg [dreg:$0xc];
	s1 =	sadd.s32 $0x1, s1  }
0xf: {  	p0 =	sne.s32 s1, s0  }
.Ltmp1:
0x10: {  	_ = 	snop;
	(pc) =	sbr.rel @!p0 .LBB2_12-.Ltmp1, $1  }
0x11: {  	_ =	sdelay $0x3  }
.LBB2_1:
0x12: {  	[dreg:$0xf] =	wrdreg s1  }
0x13: {  	s0 =	rddreg [dreg:$0x6]  }
0x14: {  	[tilespmem:s5], [sflag:$0x1] =	stream.linear.gather [hbm4b:s0+s5], $0x80, $0x38;
	[tilespmem:$0x11280] =	vst v63  }
0x15: {  	_ =	swait.ge [sflag:s16], $0x80  }
0x16: {  	[sflag:s16] =	ssyncset.done $0x0  }
0x17: {  	[sflag:s16] =	ssyncadd.s32 $0xFFFFFF80  }
0x18: {  	v2 =	vld [tilespmem:$0x0];
	_ =	sdelay $0x4  }
0x19: {  	(v2sf) =	vpush v2, $0x0  }
0x1a: {  	(v2sf) =	vpush v2, $0x1;
	_ =	sdelay $0xd  }
0x1b: {  	s25 =	rddreg [dreg:$0xd];
	s23 =	spop (v2sf)  }
0x1c: {  	s29 =	rddreg [dreg:$0xe];
	s24 =	spop (v2sf)  }
.Ltmp2:
0x1d: {  	s3 =	scvt.s32.f32 s24;
	(pc) =	sbr.rel .LBB2_2-.Ltmp2, $4  }
0x1e: {  	s2 =	scvt.s32.f32 s23;
	s28 =	sshll.u32 s23, $0x1;
	s0 =	sshll.u32 s23, $0xB  }
0x1f: {  	s1 =	sshll.u32 s24, $0x1;
	s6 =	sxor.u32 $0xFFFFFFFF, s28;
	s4 =	sadd.f32 s3, s3  }
0x20: {  	s31 =	ssub.s32 s29, s28;
	s26 =	sadd.f32 s2, s2;
	v2 =	vmov s1;
	s1 =	ssub.s32 s25, s1  }
0x21: {  	[dreg:$0x10] =	wrdreg s6;
	v3 =	vmov s2;
	v4 =	vmov s3;
	s30 =	ssub.s32 s1, s0;
	s0 =	simm.s32 $0x0;
	v5 =	vmov s4  }
.LBB2_10:
0x22: {  	s1 =	sshll.u32 s7, $0x7;
	s2 =	rddreg [dreg:$0x8]  }
0x23: {  	s3 =	simm.s32 $0x9280;
	s2 =	sadd.s32 s2, s1  }
0x24: {  	[hbm4b:s2+s5] =	stream.linear.scatter [tilespmem:s3], [sflag:$0x1], $0x2000, $0x38;
	[tilespmem:$0x11280] =	vst v63  }
0x25: {  	_ =	swait.ge [sflag:s16], $0x2000  }
0x26: {  	[sflag:s16] =	ssyncset.done $0x0  }
0x27: {  	[sflag:s16] =	ssyncadd.s32 $0xFFFFE000  }
0x28: {  	s21 =	rddreg [dreg:$0x4]  }
0x29: {  	s22 =	simm.s32 $0xF280;
	s2 =	sadd.s32 s21, s1  }
0x2a: {  	[hbm4b:s2+s5] =	stream.linear.scatter [tilespmem:s22], [sflag:$0x1], $0x2000, $0x38;
	[tilespmem:$0x11280] =	vst v63  }
0x2b: {  	_ =	swait.ge [sflag:s16], $0x2000  }
0x2c: {  	[sflag:s16] =	ssyncset.done $0x0;
	s23 =	rddreg [dreg:$0x9]  }
0x2d: {  	s24 =	simm.s32 $0xB280;
	[sflag:s16] =	ssyncadd.s32 $0xFFFFE000;
	s2 =	sadd.s32 s23, s1  }
0x2e: {  	[hbm4b:s2+s5] =	stream.linear.scatter [tilespmem:s24], [sflag:$0x1], $0x2000, $0x38;
	[tilespmem:$0x11280] =	vst v63  }
0x2f: {  	s29 =	simm.s32 $0xD280;
	s0 =	sadd.s32 $0x1, s0;
	_ =	swait.ge [sflag:s16], $0x2000  }
0x30: {  	p0 =	sne.s32 s0, $0x4;
	[sflag:s16] =	ssyncset.done $0x0;
	s25 =	rddreg [dreg:$0xa]  }
.Ltmp3:
0x31: {  	[sflag:s16] =	ssyncadd.s32 $0xFFFFE000;
	s1 =	sadd.s32 s25, s1;
	(pc) =	sbr.rel @!p0 .LBB2_11-.Ltmp3, $4  }
0x32: {  	[hbm4b:s1+s5] =	stream.linear.scatter [tilespmem:s29], [sflag:$0x1], $0x2000, $0x38;
	[tilespmem:$0x11280] =	vst v63  }
0x33: {  	_ =	swait.ge [sflag:s16], $0x2000  }
0x34: {  	[sflag:s16] =	ssyncset.done $0x0  }
0x35: {  	s30 =	sadd.s32 $0x2000, s30;
	s31 =	sadd.s32 $0x8, s31;
	[sflag:s16] =	ssyncadd.s32 $0xFFFFE000  }
.LBB2_2:
0x36: {  	s1 =	sshll.u32 s0, $0x3;
	s2 =	rddreg [dreg:$0xb]  }
0x37: {  	s18 =	rddreg [dreg:$0x10];
	s7 =	sadd.s32 s2, s1  }
0x38: {  	s1 =	sadd.s32 s18, s7  }
0x39: {  	p0 =	sgt.s32 s1, $0x0  }
0x3a: {  	s1 =	simm.s32 @!p0 $0x0  }
0x3b: {  	s6 =	smin.u32 s1, $0x3F7  }
0x3c: {  	s19 =	rddreg [dreg:$0x1];
	s1 =	sshll.u32 s6, $0x7  }
0x3d: {  	s3 =	simm.s32 $0x90;
	s2 =	sadd.s32 s19, s1  }
0x3e: {  	[tilespmem:s3], [sflag:$0x1] =	stream.linear.gather [hbm4b:s2+s13], $0x2400, $0x38;
	[tilespmem:$0x11280] =	vst v63  }
0x3f: {  	_ =	swait.ge [sflag:s16], $0x2400  }
0x40: {  	[sflag:s16] =	ssyncset.done $0x0;
	s20 =	rddreg [dreg:$0x7]  }
0x41: {  	s21 =	simm.s32 $0x2510;
	[sflag:s16] =	ssyncadd.s32 $0xFFFFDC00;
	s2 =	sadd.s32 s20, s1  }
0x42: {  	[tilespmem:s21], [sflag:$0x1] =	stream.linear.gather [hbm4b:s2+s13], $0x2400, $0x38;
	[tilespmem:$0x11280] =	vst v63  }
0x43: {  	_ =	swait.ge [sflag:s16], $0x2400  }
0x44: {  	[sflag:s16] =	ssyncset.done $0x0  }
0x45: {  	[sflag:s16] =	ssyncadd.s32 $0xFFFFDC00  }
0x46: {  	s22 =	rddreg [dreg:$0x2]  }
0x47: {  	s23 =	simm.s32 $0x4990;
	s2 =	sadd.s32 s22, s1  }
0x48: {  	[tilespmem:s23], [sflag:$0x1] =	stream.linear.gather [hbm4b:s2+s13], $0x2400, $0x38;
	[tilespmem:$0x11280] =	vst v63  }
0x49: {  	_ =	swait.ge [sflag:s16], $0x2400  }
0x4a: {  	s25 =	simm.s32 $0x6E10;
	[sflag:s16] =	ssyncset.done $0x0  }
0x4b: {  	s8 =	simm.s32 $0xB280;
	p0 =	sgt.s32 s31, $0x0;
	[sflag:s16] =	ssyncadd.s32 $0xFFFFDC00  }
0x4c: {  	s3 =	simm.s32 $0x0;
	s2 =	smov.u32 s31;
	s24 =	rddreg [dreg:$0x3]  }
.Ltmp4:
0x4d: {  	s2 =	simm.s32 @!p0 $0x0;
	s1 =	sadd.s32 s24, s1;
	(pc) =	sbr.rel .LBB2_3-.Ltmp4, $4  }
0x4e: {  	[tilespmem:s25], [sflag:$0x1] =	stream.linear.gather [hbm4b:s1+s13], $0x2400, $0x38;
	[tilespmem:$0x11280] =	vst v63  }
0x4f: {  	s23 =	simm.s32 $0x9280;
	s2 =	smin.u32 s2, $0x3F7;
	_ =	swait.ge [sflag:s16], $0x2400  }
0x50: {  	s29 =	sshll.u32 s2, $0xA;
	s2 =	simm.s32 $0xD280;
	[sflag:s16] =	ssyncset.done $0x0  }
0x51: {  	s14 =	ssub.s32 s30, s29;
	s24 =	simm.s32 $0xF280;
	[sflag:s16] =	ssyncadd.s32 $0xFFFFDC00  }
.LBB2_8:
0x52: {  	v6 =	vadd.f32 v26, v26  }
0x53: {  	v7 =	vnsel vm1, $0x0, v12;
	v8 =	vadd.f32 v24, v18;
	vm15 =	vge.f32 v25, v9  }
0x54: {  	v10 =	vmul.f32 v24, v22;
	vm0 =	vmand vm0, vm15;
	vm2 =	vge.f32 v6, v13  }
0x55: {  	v11 =	vmul.f32 v24, v15;
	v57 =	vld [tilespmem:s20+$0x6E00];
	v8 =	vadd.f32 v7, v8;
	vm0 =	vmand vm0, vm2  }
0x56: {  	v58 =	vmul.f32 v24, v23;
	v60 =	vsub.f32 v25, v9;
	v59 =	vnsel vm0, $0x0, v12  }
0x57: {  	v14 =	vmul.f32 v7, v14;
	v6 =	vsub.f32 v6, v13;
	v8 =	vadd.f32 v59, v8  }
0x58: {  	v61 =	vmul.f32 v7, v20;
	v13 =	vadd.f32 v58, v16;
	v11 =	vadd.f32 v11, v19  }
0x59: {  	v10 =	vadd.f32 v10, v17;
	v7 =	vmul.f32 v7, v21;
	v8 =	vmin.f32 v8, $1.000000000e+00  }
0x5a: {  	v13 =	vadd.f32 v14, v13;
	v62 =	vmul.f32 v59, v57;
	v8 =	vtrunc.f32 v8  }
0x5b: {  	v7 =	vadd.f32 v7, v11;
	v9 =	vmul.f32 v59, v60;
	v8 =	vcvt.f32.s32 v8  }
0x5c: {  	v10 =	vadd.f32 v61, v10;
	v6 =	vmul.f32 v59, v6;
	v63 =	vadd.f32 v62, v13  }
0x5d: {  	v7 =	vadd.f32 v9, v7;
	[tilespmem:s15+$0x0] =	vst v8  }
0x5e: {  	v6 =	vadd.f32 v6, v10;
	[tilespmem:s25+$0x0] =	vst v63  }
0x5f: {  	[tilespmem:s1+$0x0] =	vst v7  }
0x60: {  	[tilespmem:s4+$0x0] =	vst v6  }
.LBB2_9:
0x61: {  	s3 =	sadd.s32 $0x1, s3  }
0x62: {  	p0 =	sne.s32 s3, $0x8  }
.Ltmp5:
0x63: {  	_ = 	snop;
	(pc) =	sbr.rel @!p0 .LBB2_10-.Ltmp5, $3  }
0x64: {  	_ =	sdelay $0x1  }
0x65: {  	s23 =	sadd.s32 $0x400, s23;
	s24 =	sadd.s32 $0x400, s24  }
0x66: {  	s8 =	sadd.s32 $0x400, s8;
	s2 =	sadd.s32 $0x400, s2;
	s14 =	sadd.s32 $0x400, s14  }
.LBB2_3:
0x67: {  	s1 =	sadd.s32 $0x0, s14  }
0x68: {  	s4 =	sadd.s32 $0x10, s1  }
0x69: {  	p0 =	sgt.s32 s4, $0x0  }
0x6a: {  	s4 =	simm.s32 @!p0 $0x0  }
0x6b: {  	s9 =	smin.u32 s4, $0x2400  }
0x6c: {  	v6 =	vld [tilespmem:s9+$0x4980]  }
0x6d: {  	v7 =	vor.u32 s13, v0  }
0x6e: {  	s19 =	sor.u32 s7, s3;
	v9 =	vsub.s32 v7, v2;
	v8 =	vld [tilespmem:s9+$0x2500]  }
0x6f: {  	s10 =	ssub.s32 s19, s28;
	v7 =	vcvt.s32.f32 v9  }
0x70: {  	s11 =	scvt.s32.f32 s10  }
0x71: {  	s1 =	sadd.s32 $0xFFFFFC10, s1;
	v10 =	vadd.f32 v7, v6  }
0x72: {  	p0 =	sgt.s32 s1, $0x0;
	v6 =	vmov s11  }
0x73: {  	s1 =	simm.s32 @!p0 $0x0;
	v8 =	vadd.f32 v8, v6;
	v10 =	vmul.f32 $5.000000000e-01, v10  }
0x74: {  	v15 =	vadd.f32 v7, v5;
	s1 =	smin.u32 s1, $0x2400;
	v12 =	vld [tilespmem:s9+$0x80]  }
0x75: {  	s4 =	sadd.s32 $0xFFFFFFFF, s10;
	v11 =	vld [tilespmem:s1+$0x2500];
	v8 =	vmul.f32 $5.000000000e-01, v8;
	v10 =	vadd.f32 v10, v4  }
0x76: {  	s20 =	sadd.f32 s11, s26;
	s21 =	scvt.s32.f32 s4;
	v13 =	vadd.f32 $1.000000000e+00, v15  }
0x77: {  	vm1 =	vlt.u32 v9, $0x400;
	v14 =	vadd.f32 v8, v3;
	v16 =	vadd.f32 v10, v10  }
0x78: {  	v19 =	vsel vm1, $0x3F800000, v1;
	s15 =	sadd.f32 $1.000000000e+00, s20;
	v7 =	vmov s21  }
0x79: {  	vm13 =	vgt.s32 v12, $0x0;
	v17 =	vadd.f32 v14, v14;
	vm0 =	vge.f32 v16, v13  }
0x7a: {  	s22 =	ssub.s32 s10, s6;
	v8 =	vmov s15;
	v10 =	vadd.f32 v11, v7;
	v18 =	vsel vm0, $0x3F800000, v1  }
0x7b: {  	p0 =	slt.u32 s22, $0x9;
	v20 =	vnsel vm13, $0x0, v19;
	s15 =	simm.f32 $1.000000000e+00;
	vm14 =	vge.f32 v17, v8;
	v9 =	vsub.f32 $1.000000000e+00, v18  }
0x7c: {  	p1 =	slt.u32 s10, $0x400;
	s15 =	simm.s32 @!p0 $0x0;
	v13 =	vmul.f32 $5.000000000e-01, v10;
	v11 =	vsel vm14, $0x0, v20  }
0x7d: {  	s25 =	sadd.f32 s21, s26;
	v12 =	vmov s23;
	s15 =	simm.s32 @!p1 $0x0;
	v9 =	vmul.f32 v9, v11  }
0x7e: {  	v21 =	vld [tilespmem:s9+$0x6E00];
	v14 =	vmov s24;
	v10 =	vmov s15;
	v22 =	vadd.f32 v13, v3  }
0x7f: {  	s29 =	sadd.f32 $1.000000000e+00, s25;
	v62 =	vsub.f32 v16, v15;
	v15 =	vmov s2;
	v23 =	vmul.f32 v9, v10  }
0x80: {  	v13 =	vmov s8;
	v18 =	vmul.f32 v18, v20;
	v22 =	vadd.f32 v22, v22  }
0x81: {  	v11 =	vmov s20;
	v9 =	vmov s29;
	v24 =	vtrunc.f32 v23  }
0x82: {  	v17 =	vsub.f32 v17, v11;
	vm15 =	vge.f32 v22, v9;
	v24 =	vcvt.f32.s32 v24  }
0x83: {  	s10 =	sadd.s32 $0x10, s14;
	s11 =	simm.s32 $0x0;
	v61 =	vmul.f32 v23, v21;
	v19 =	vnsel vm15, $0x0, v19  }
0x84: {  	s18 =	sadd.s32 $0x10, s10;
	v16 =	vimm.f32 $0.0e+00;
	v63 =	vmul.f32 v23, v17;
	v17 =	vmax.f32 v18, v19;
	[tilespmem:v12+s11+$0x0 ss:$0x1] =	vst.idx.msk $0xffff, v24  }
0x85: {  	s17 =	simm.s32 $0x80;
	s9 =	simm.s32 $0x10;
	p0 =	sgt.s32 s18, $0x0;
	v16 =	vmax.f32 v16, v17;
	v17 =	vmul.f32 v23, v62;
	[tilespmem:v14+s11+$0x0 ss:$0x1] =	vst.idx.msk $0xffff, v61  }
0x86: {  	s1 =	ssub.s32 s4, s6;
	s18 =	simm.s32 @!p0 $0x0;
	s15 =	simm.s32 $0x40;
	[tilespmem:v13+s11+$0x0 ss:$0x1] =	vst.idx.msk $0xffff, v63  }
.LBB2_4:
0x87: {  	p0 =	sne.s32 s17, $0xFC0;
	s18 =	smin.u32 s18, $0x2400;
	[tilespmem:v15+s11+$0x0 ss:$0x1] =	vst.idx.msk $0xffff, v17  }
0x88: {  	s10 =	sadd.s32 $0xFFFFFC10, s10;
	v17 =	vld [tilespmem:s18+$0x4980]  }
0x89: {  	v18 =	vor.u32 s9, v0;
	p1 =	sgt.s32 s10, $0x0;
	v19 =	vld [tilespmem:s18+$0x2500]  }
0x8a: {  	v18 =	vsub.s32 v18, v2;
	s10 =	simm.s32 @!p1 $0x0;
	v20 =	vld [tilespmem:s18+$0x80]  }
0x8b: {  	v22 =	vcvt.s32.f32 v18;
	s10 =	smin.u32 s10, $0x2400;
	v21 =	vld [tilespmem:s18+$0x6E00]  }
0x8c: {  	v23 =	vld [tilespmem:s10+$0x2500]  }
0x8d: {  	v17 =	vadd.f32 v22, v17;
	_ =	sdelay $0x1  }
0x8e: {  	v19 =	vadd.f32 v19, v6;
	v17 =	vmul.f32 $5.000000000e-01, v17  }
0x8f: {  	v22 =	vadd.f32 v22, v5  }
0x90: {  	v19 =	vmul.f32 $5.000000000e-01, v19;
	v17 =	vadd.f32 v17, v4;
	v23 =	vadd.f32 v23, v7  }
0x91: {  	v24 =	vadd.f32 $1.000000000e+00, v22  }
0x92: {  	v19 =	vadd.f32 v19, v3;
	v17 =	vadd.f32 v17, v17;
	v23 =	vmul.f32 $5.000000000e-01, v23;
	_ =	sdelay $0x1  }
0x93: {  	vm1 =	vlt.u32 v18, $0x400;
	v19 =	vadd.f32 v19, v19;
	vm0 =	vge.f32 v17, v24  }
0x94: {  	v24 =	vsel vm1, $0x3F800000, v1;
	v18 =	vsel vm0, $0x3F800000, v1;
	vm0 =	vgt.s32 v20, $0x0  }
0x95: {  	vm1 =	vge.f32 v19, v8;
	v20 =	vnsel vm0, $0x0, v24;
	v25 =	vsub.f32 $1.000000000e+00, v18  }
0x96: {  	v23 =	vadd.f32 v23, v3;
	v26 =	vsel vm1, $0x0, v20;
	v18 =	vmul.f32 v18, v20  }
0x97: {  	v20 =	vmul.f32 v25, v26  }
0x98: {  	v23 =	vadd.f32 v23, v23  }
0x99: {  	v20 =	vmul.f32 v20, v10  }
0x9a: {  	vm0 =	vge.f32 v23, v9  }
0x9b: {  	v24 =	vnsel vm0, $0x0, v24;
	v23 =	vtrunc.f32 v20  }
.Ltmp6:
0x9c: {  	s9 =	sadd.s32 $0x10, s9;
	v19 =	vsub.f32 v19, v11;
	v18 =	vmax.f32 v18, v24;
	v23 =	vcvt.f32.s32 v23;
	(pc) =	sbr.rel @p0 .LBB2_4-.Ltmp6, $4  }
0x9d: {  	s11 =	sshra.s32 s15, $0x2;
	s15 =	smov.u32 s17;
	s10 =	sadd.s32 s9, s14;
	v17 =	vsub.f32 v17, v22;
	v16 =	vmax.f32 v16, v18;
	v21 =	vmul.f32 v20, v21  }
0x9e: {  	s18 =	sadd.s32 $0x10, s10;
	v18 =	vmul.f32 v20, v19;
	[tilespmem:v12+s11+$0x0 ss:$0x1] =	vst.idx.msk $0xffff, v23  }
0x9f: {  	p1 =	sgt.s32 s18, $0x0;
	v17 =	vmul.f32 v20, v17;
	[tilespmem:v14+s11+$0x0 ss:$0x1] =	vst.idx.msk $0xffff, v21  }
0xa0: {  	s17 =	sadd.s32 $0x40, s17;
	s18 =	simm.s32 @!p1 $0x0;
	[tilespmem:v13+s11+$0x0 ss:$0x1] =	vst.idx.msk $0xffff, v18  }
0xa1: {  	_ =	sdelay $0x2  }
0xa2: {  	s10 =	sadd.s32 $0xFFFFFC10, s10  }
0xa3: {  	s17 =	smin.u32 s18, $0x2400;
	[tilespmem:v15+s11+$0x0 ss:$0x1] =	vst.idx.msk $0xffff, v17;
	p0 =	sgt.s32 s10, $0x0  }
0xa4: {  	v17 =	vld [tilespmem:s17+$0x4980];
	s10 =	simm.s32 @!p0 $0x0  }
0xa5: {  	v18 =	vor.u32 s9, v0;
	s11 =	smin.u32 s10, $0x2400  }
0xa6: {  	v18 =	vsub.s32 v18, v2;
	v20 =	vld [tilespmem:s11+$0x2500]  }
0xa7: {  	v19 =	vcvt.s32.f32 v18;
	_ =	sdelay $0x1  }
0xa8: {  	v17 =	vadd.f32 v19, v17;
	_ =	sdelay $0x1  }
0xa9: {  	v17 =	vmul.f32 $5.000000000e-01, v17;
	v20 =	vadd.f32 v20, v7  }
0xaa: {  	v21 =	vld [tilespmem:s17+$0x80];
	v19 =	vadd.f32 v19, v5  }
0xab: {  	v17 =	vadd.f32 v17, v4;
	v20 =	vmul.f32 $5.000000000e-01, v20  }
0xac: {  	v22 =	vadd.f32 $1.000000000e+00, v19  }
0xad: {  	vm1 =	vlt.u32 v18, $0x400;
	v17 =	vadd.f32 v17, v17;
	v20 =	vadd.f32 v20, v3  }
0xae: {  	v18 =	vsel vm1, $0x3F800000, v1  }
0xaf: {  	vm13 =	vgt.s32 v21, $0x0;
	vm0 =	vge.f32 v17, v22;
	v20 =	vadd.f32 v20, v20  }
0xb0: {  	v54 =	vnsel vm13, $0x0, v18;
	v53 =	vsel vm0, $0x3F800000, v1  }
0xb1: {  	v23 =	vmul.f32 v53, v54;
	vm14 =	vge.f32 v20, v9  }
0xb2: {  	v18 =	vnsel vm14, $0x0, v18  }
0xb3: {  	v18 =	vmax.f32 v23, v18  }
0xb4: {  	v16 =	vmax.f32 v16, v18  }
0xb5: {  	(v2sf) =	vpush v16, $0x0  }
0xb6: {  	(v2sf) =	vpush v16, $0x1;
	_ =	sdelay $0x1  }
0xb7: {  	(v2sf) =	vpush v16, $0x2;
	_ =	sdelay $0x1  }
0xb8: {  	(v2sf) =	vpush v16, $0x3;
	_ =	sdelay $0x1  }
0xb9: {  	(v2sf) =	vpush v16, $0x4;
	_ =	sdelay $0x1  }
0xba: {  	(v2sf) =	vpush v16, $0x5;
	_ =	sdelay $0x1  }
0xbb: {  	(v2sf) =	vpush v16, $0x6;
	_ =	sdelay $0x1  }
0xbc: {  	(v2sf) =	vpush v16, $0x7;
	_ =	sdelay $0x1  }
0xbd: {  	s12 =	spop (v2sf);
	(v2sf) =	vpush v16, $0x8  }
0xbe: {  	s18 =	spop (v2sf)  }
0xbf: {  	(v2sf) =	vpush v16, $0x9;
	s9 =	sadd.f32 s18, s12  }
0xc0: {  	s19 =	spop (v2sf)  }
0xc1: {  	(v2sf) =	vpush v16, $0xA;
	s9 =	sadd.f32 s9, s19  }
0xc2: {  	s20 =	spop (v2sf)  }
0xc3: {  	(v2sf) =	vpush v16, $0xB;
	s9 =	sadd.f32 s9, s20  }
0xc4: {  	s21 =	spop (v2sf)  }
0xc5: {  	(v2sf) =	vpush v16, $0xC;
	s9 =	sadd.f32 s9, s21  }
0xc6: {  	s22 =	spop (v2sf)  }
0xc7: {  	(v2sf) =	vpush v16, $0xD;
	s9 =	sadd.f32 s9, s22  }
0xc8: {  	s25 =	spop (v2sf)  }
0xc9: {  	v55 =	vld [tilespmem:s17+$0x2500];
	(v2sf) =	vpush v16, $0xE;
	s9 =	sadd.f32 s9, s25  }
0xca: {  	s29 =	spop (v2sf)  }
0xcb: {  	(v2sf) =	vpush v16, $0xF;
	s9 =	sadd.f32 s9, s29  }
0xcc: {  	s11 =	spop (v2sf)  }
0xcd: {  	s9 =	sadd.f32 s9, s11  }
0xce: {  	v18 =	vadd.f32 v55, v6;
	s12 =	spop (v2sf)  }
0xcf: {  	s9 =	sadd.f32 s9, s12  }
0xd0: {  	v56 =	vmul.f32 $5.000000000e-01, v18;
	s18 =	spop (v2sf)  }
0xd1: {  	s9 =	sadd.f32 s9, s18  }
0xd2: {  	v16 =	vadd.f32 v56, v3;
	s19 =	spop (v2sf)  }
0xd3: {  	s9 =	sadd.f32 s9, s19  }
0xd4: {  	v16 =	vadd.f32 v16, v16;
	s20 =	spop (v2sf)  }
0xd5: {  	s9 =	sadd.f32 s9, s20  }
0xd6: {  	v57 =	vsub.f32 $1.000000000e+00, v53;
	vm15 =	vge.f32 v16, v8;
	s21 =	spop (v2sf)  }
0xd7: {  	v58 =	vsel vm15, $0x0, v54;
	s9 =	sadd.f32 s9, s21  }
0xd8: {  	v18 =	vmul.f32 v57, v58;
	s22 =	spop (v2sf)  }
0xd9: {  	v59 =	vld [tilespmem:s17+$0x6E00];
	s9 =	sadd.f32 s9, s22  }
0xda: {  	v18 =	vmul.f32 v18, v10;
	s25 =	spop (v2sf)  }
0xdb: {  	s9 =	sadd.f32 s9, s25  }
0xdc: {  	v60 =	vtrunc.f32 v18  }
0xdd: {  	v16 =	vsub.f32 v16, v11;
	v21 =	vcvt.f32.s32 v60;
	p0 =	sgt.f32 s9, $0.0e+00  }
.Ltmp7:
0xde: {  	v17 =	vsub.f32 v17, v19;
	s29 =	sshra.s32 s15, $0x2;
	v61 =	vmul.f32 v18, v59;
	(pc) =	sbr.rel @!p0 .LBB2_9-.Ltmp7, $4  }
0xdf: {  	v62 =	vmul.f32 v18, v16;
	[tilespmem:v12+s29+$0x0 ss:$0x1] =	vst.idx.msk $0xffff, v21  }
0xe0: {  	v63 =	vmul.f32 v18, v17;
	[tilespmem:v14+s29+$0x0 ss:$0x1] =	vst.idx.msk $0xffff, v61  }
0xe1: {  	[tilespmem:v13+s29+$0x0 ss:$0x1] =	vst.idx.msk $0xffff, v62  }
0xe2: {  	[tilespmem:v15+s29+$0x0 ss:$0x1] =	vst.idx.msk $0xffff, v63  }
0xe3: {  	s11 =	sadd.s32 $0x0, s14  }
0xe4: {  	s9 =	sadd.s32 $0x10, s11  }
0xe5: {  	p0 =	sgt.s32 s9, $0x0  }
0xe6: {  	s15 =	sadd.s32 $0xF, s11;
	s9 =	simm.s32 @!p0 $0x0  }
0xe7: {  	p0 =	sgt.s32 s15, $0x0;
	s10 =	smin.u32 s9, $0x2400  }
0xe8: {  	s17 =	sadd.s32 $0xFFFFFC10, s11;
	s15 =	simm.s32 @!p0 $0x0;
	v13 =	vld [tilespmem:s10+$0x4980]  }
0xe9: {  	p0 =	sgt.s32 s17, $0x0;
	s25 =	smin.u32 s15, $0x2400;
	v12 =	vld [tilespmem:s10+$0x2500]  }
0xea: {  	s18 =	simm.s32 $0x0;
	s17 =	simm.s32 @!p0 $0x0;
	v14 =	vld [tilespmem:s25+$0x2500]  }
0xeb: {  	v15 =	vor.u32 s18, v0;
	s29 =	smin.u32 s17, $0x2400;
	v16 =	vld [tilespmem:s25+$0x4980]  }
0xec: {  	v15 =	vsub.s32 v15, v2;
	v17 =	vld [tilespmem:s29+$0x2500]  }
0xed: {  	v18 =	vcvt.s32.f32 v15;
	v19 =	vadd.s32 $0xFFFFFFFF, v15;
	p0 =	slt.u32 s1, $0x9;
	s1 =	simm.f32 $1.000000000e+00;
	v20 =	vld [tilespmem:s29+$0x4980]  }
0xee: {  	p1 =	slt.u32 s4, $0x400;
	vm1 =	vlt.u32 v15, $0x400;
	v22 =	vcvt.s32.f32 v19;
	s1 =	simm.s32 @!p0 $0x0  }
0xef: {  	vm0 =	vlt.u32 v19, $0x400;
	v24 =	vadd.f32 v18, v5;
	s1 =	simm.s32 @!p1 $0x0;
	v21 =	vadd.f32 v12, v6  }
0xf0: {  	v23 =	vld [tilespmem:s10+$0x80];
	v12 =	vmov s1;
	v13 =	vadd.f32 v18, v13;
	v14 =	vadd.f32 v14, v6  }
0xf1: {  	v16 =	vadd.f32 v22, v16;
	v19 =	vmul.f32 $5.000000000e-01, v21;
	v21 =	vadd.f32 v22, v5  }
0xf2: {  	v28 =	vld [tilespmem:s25+$0x80];
	s1 =	sadd.s32 $0xFFFFFC0F, s11;
	v13 =	vmul.f32 $5.000000000e-01, v13;
	v17 =	vadd.f32 v17, v7;
	v18 =	vadd.f32 v18, v20  }
0xf3: {  	v15 =	vld [tilespmem:s29+$0x80];
	p0 =	sgt.s32 s1, $0x0;
	v20 =	vadd.f32 $1.000000000e+00, v24;
	v16 =	vmul.f32 $5.000000000e-01, v16;
	v14 =	vmul.f32 $5.000000000e-01, v14  }
0xf4: {  	s1 =	simm.s32 @!p0 $0x0;
	v19 =	vadd.f32 v19, v3;
	v13 =	vadd.f32 v13, v4;
	v17 =	vmul.f32 $5.000000000e-01, v17  }
0xf5: {  	vm3 =	vgt.s32 v23, $0x0;
	s20 =	smin.u32 s1, $0x2400;
	v16 =	vadd.f32 v16, v4;
	v14 =	vadd.f32 v14, v3  }
0xf6: {  	v18 =	vmul.f32 $5.000000000e-01, v18;
	v26 =	vld [tilespmem:s20+$0x4980];
	v25 =	vadd.f32 v13, v13;
	v17 =	vadd.f32 v17, v3  }
0xf7: {  	vm14 =	vgt.s32 v28, $0x0;
	v13 =	vadd.f32 $1.000000000e+00, v21;
	v19 =	vadd.f32 v19, v19  }
0xf8: {  	vm6 =	vgt.s32 v15, $0x0;
	v18 =	vadd.f32 v18, v4;
	v23 =	vadd.f32 v16, v16  }
0xf9: {  	v16 =	vld [tilespmem:s20+$0x2500];
	v14 =	vadd.f32 v14, v14;
	vm2 =	vge.f32 v25, v20;
	v21 =	vadd.f32 v17, v17  }
0xfa: {  	vm5 =	vge.f32 v19, v8;
	vm4 =	vmneg vm2;
	vm2 =	vge.f32 v23, v13  }
0xfb: {  	vm5 =	vmneg vm5;
	v15 =	vsub.f32 v14, v11;
	v26 =	vadd.f32 v22, v26  }
0xfc: {  	v17 =	vld [tilespmem:s10+$0x6E00];
	v22 =	vsub.f32 v23, v13;
	vm7 =	vge.f32 v21, v9;
	vm5 =	vmand vm1, vm5  }
0xfd: {  	vm1 =	vmand vm1, vm6;
	v21 =	vsub.f32 v21, v9;
	vm3 =	vmand vm5, vm3  }
0xfe: {  	vm1 =	vmand vm1, vm7;
	v23 =	vmul.f32 $5.000000000e-01, v26;
	v27 =	vadd.f32 v16, v7  }
0xff: {  	v16 =	vsub.f32 v25, v24;
	v25 =	vadd.f32 v18, v18;
	vm3 =	vmand vm3, vm4  }
0x100: {  	v18 =	vnsel vm3, $0x0, v10;
	vm3 =	vge.f32 v14, v8;
	v14 =	vsub.f32 v19, v11  }
0x101: {  	v26 =	vadd.f32 v23, v4;
	vm13 =	vge.f32 v25, v20;
	v17 =	vmul.f32 v18, v17;
	v20 =	vld [tilespmem:s20+$0x80]  }
0x102: {  	v19 =	vmul.f32 v18, v16;
	vm3 =	vmneg vm3;
	v27 =	vmul.f32 $5.000000000e-01, v27  }
0x103: {  	vm4 =	vmneg vm13;
	v14 =	vmul.f32 v18, v14;
	vm3 =	vmand vm0, vm3  }
0x104: {  	v16 =	vadd.f32 $0.0e+00, v17;
	vm1 =	vmand vm1, vm4;
	v17 =	vadd.f32 $0.0e+00, v19  }
0x105: {  	s21 =	simm.s32 $0x10;
	s22 =	sadd.s32 $0x10, s2;
	s19 =	smov.u32 s23;
	v27 =	vadd.f32 v27, v3;
	vm3 =	vmand vm3, vm14;
	v19 =	vadd.f32 $0.0e+00, v14  }
0x106: {  	s4 =	smov.u32 s2;
	s18 =	smov.u32 s24;
	s15 =	smov.u32 s23;
	v23 =	vld [tilespmem:s25+$0x6E00];
	vm2 =	vmand vm3, vm2;
	vm15 =	vgt.s32 v20, $0x0;
	v20 =	vsub.f32 v25, v24  }
0x107: {  	s17 =	smov.u32 s8;
	s1 =	smov.u32 s8;
	s25 =	smov.u32 s24;
	v14 =	vld [tilespmem:s29+$0x6E00];
	v24 =	vnsel vm2, $0x0, v10;
	v25 =	vadd.f32 v27, v27;
	vm0 =	vmand vm0, vm15  }
.LBB2_7:
0x108: {  	v27 =	vnsel vm1, $0x0, v12;
	v26 =	vadd.f32 v26, v26;
	s19 =	sadd.s32 $0x10, s19;
	s18 =	sadd.s32 $0x10, s18;
	s17 =	sadd.s32 $0x10, s17  }
0x109: {  	p0 =	sne.s32 s21, $0x3F0;
	v18 =	vadd.f32 v24, v18;
	v22 =	vmul.f32 v24, v22;
	vm1 =	vge.f32 v25, v9;
	s11 =	smov.u32 s21;
	s21 =	sadd.s32 $0x10, s21  }
0x10a: {  	v15 =	vmul.f32 v24, v15;
	vm0 =	vmand vm0, vm1;
	vm2 =	vge.f32 v26, v13  }
0x10b: {  	v18 =	vadd.f32 v27, v18;
	v13 =	vsub.f32 v26, v13;
	v28 =	vld [tilespmem:s20+$0x6E00];
	vm0 =	vmand vm0, vm2  }
0x10c: {  	v23 =	vmul.f32 v24, v23;
	v25 =	vsub.f32 v25, v9;
	v24 =	vnsel vm0, $0x0, v12  }
0x10d: {  	v14 =	vmul.f32 v27, v14;
	v20 =	vmul.f32 v27, v20;
	v18 =	vadd.f32 v24, v18  }
0x10e: {  	v16 =	vadd.f32 v23, v16;
	v15 =	vadd.f32 v15, v19;
	v19 =	vmul.f32 v24, v25  }
0x10f: {  	v21 =	vmul.f32 v27, v21;
	v17 =	vadd.f32 v22, v17;
	v18 =	vmin.f32 v18, $1.000000000e+00  }
0x110: {  	v14 =	vadd.f32 v14, v16;
	v16 =	vmul.f32 v24, v28;
	v18 =	vtrunc.f32 v18  }
0x111: {  	v15 =	vadd.f32 v21, v15;
	v18 =	vcvt.f32.s32 v18  }
0x112: {  	s9 =	sadd.s32 s11, s14;
	v17 =	vadd.f32 v20, v17;
	v13 =	vmul.f32 v24, v13;
	v14 =	vadd.f32 v16, v14  }
0x113: {  	s10 =	sadd.s32 $0x10, s9;
	s12 =	sadd.s32 $0xFFFFFC10, s9;
	s20 =	sadd.s32 $0xF, s9;
	v15 =	vadd.f32 v19, v15;
	[tilespmem:s15+$0x0] =	vst v18  }
0x114: {  	p1 =	sgt.s32 s10, $0x0;
	p3 =	sgt.s32 s12, $0x0;
	p2 =	sgt.s32 s20, $0x0;
	v13 =	vadd.f32 v13, v17;
	[tilespmem:s25+$0x0] =	vst v14  }
0x115: {  	s29 =	sadd.s32 $0xFFFFFC0F, s9;
	s10 =	simm.s32 @!p1 $0x0;
	s20 =	simm.s32 @!p2 $0x0;
	[tilespmem:s1+$0x0] =	vst v15  }
0x116: {  	s12 =	simm.s32 @!p3 $0x0;
	s10 =	smin.u32 s10, $0x2400;
	s9 =	smin.u32 s20, $0x2400;
	[tilespmem:s4+$0x0] =	vst v13  }
0x117: {  	p1 =	sgt.s32 s29, $0x0;
	s12 =	smin.u32 s12, $0x2400;
	s15 =	smov.u32 s19;
	v13 =	vld [tilespmem:s10+$0x4980]  }
0x118: {  	s29 =	simm.s32 @!p1 $0x0;
	s25 =	smov.u32 s18;
	s1 =	smov.u32 s17;
	v14 =	vld [tilespmem:s10+$0x2500]  }
0x119: {  	s20 =	smin.u32 s29, $0x2400;
	s4 =	smov.u32 s22;
	v15 =	vld [tilespmem:s9+$0x2500]  }
0x11a: {  	v16 =	vor.u32 s11, v0;
	v17 =	vld [tilespmem:s9+$0x4980]  }
0x11b: {  	v16 =	vsub.s32 v16, v2;
	v18 =	vld [tilespmem:s12+$0x2500]  }
0x11c: {  	v19 =	vcvt.s32.f32 v16;
	v20 =	vadd.s32 $0xFFFFFFFF, v16;
	v21 =	vld [tilespmem:s12+$0x4980]  }
0x11d: {  	v23 =	vcvt.s32.f32 v20;
	v22 =	vadd.f32 v14, v6;
	v14 =	vld [tilespmem:s12+$0x6E00]  }
0x11e: {  	vm0 =	vlt.u32 v20, $0x400;
	v13 =	vadd.f32 v19, v13;
	v15 =	vadd.f32 v15, v6  }
0x11f: {  	v20 =	vmul.f32 $5.000000000e-01, v22;
	v17 =	vadd.f32 v23, v17;
	v22 =	vadd.f32 v23, v5  }
0x120: {  	v25 =	vadd.f32 v19, v5;
	v13 =	vmul.f32 $5.000000000e-01, v13;
	v24 =	vld [tilespmem:s10+$0x80];
	v18 =	vadd.f32 v18, v7  }
0x121: {  	v15 =	vmul.f32 $5.000000000e-01, v15;
	v20 =	vadd.f32 v20, v3;
	v17 =	vmul.f32 $5.000000000e-01, v17  }
0x122: {  	v13 =	vadd.f32 v13, v4;
	v19 =	vadd.f32 v19, v21;
	v18 =	vmul.f32 $5.000000000e-01, v18  }
0x123: {  	vm1 =	vlt.u32 v16, $0x400;
	v21 =	vadd.f32 $1.000000000e+00, v25;
	v16 =	vadd.f32 v17, v4;
	v17 =	vld [tilespmem:s12+$0x80]  }
0x124: {  	v26 =	vadd.f32 v13, v13;
	v19 =	vmul.f32 $5.000000000e-01, v19;
	v18 =	vadd.f32 v18, v3  }
0x125: {  	v13 =	vadd.f32 $1.000000000e+00, v22;
	vm3 =	vgt.s32 v24, $0x0;
	v24 =	vadd.f32 v16, v16;
	v16 =	vld [tilespmem:s20+$0x2500]  }
0x126: {  	v20 =	vadd.f32 v20, v20;
	vm2 =	vge.f32 v26, v21;
	v19 =	vadd.f32 v19, v4  }
0x127: {  	v15 =	vadd.f32 v15, v3;
	vm4 =	vmneg vm2;
	v27 =	vadd.f32 v18, v18  }
0x128: {  	vm5 =	vge.f32 v20, v8;
	vm2 =	vge.f32 v24, v13;
	vm6 =	vgt.s32 v17, $0x0;
	v17 =	vld [tilespmem:s20+$0x4980]  }
0x129: {  	v28 =	vadd.f32 v15, v15;
	vm5 =	vmneg vm5;
	vm7 =	vge.f32 v27, v9;
	v22 =	vld [tilespmem:s10+$0x6E00]  }
0x12a: {  	vm5 =	vmand vm1, vm5;
	vm1 =	vmand vm1, vm6;
	v29 =	vadd.f32 v16, v7  }
0x12b: {  	vm3 =	vmand vm5, vm3;
	v16 =	vsub.f32 v26, v25;
	v26 =	vadd.f32 v19, v19  }
0x12c: {  	v15 =	vsub.f32 v28, v11;
	vm3 =	vmand vm3, vm4;
	vm1 =	vmand vm1, vm7;
	v19 =	vld [tilespmem:s9+$0x80]  }
0x12d: {  	v18 =	vnsel vm3, $0x0, v10;
	vm3 =	vge.f32 v28, v8;
	vm4 =	vge.f32 v26, v21  }
0x12e: {  	v20 =	vsub.f32 v20, v11;
	vm4 =	vmneg vm4;
	v21 =	vmul.f32 v18, v22;
	v28 =	vld [tilespmem:s20+$0x80]  }
0x12f: {  	vm3 =	vmneg vm3;
	v23 =	vadd.f32 v23, v17;
	v22 =	vmul.f32 v18, v16  }
0x130: {  	v20 =	vmul.f32 v18, v20;
	vm1 =	vmand vm1, vm4;
	v16 =	vadd.f32 $0.0e+00, v21  }
0x131: {  	vm3 =	vmand vm0, vm3;
	v17 =	vadd.f32 $0.0e+00, v22;
	v21 =	vmul.f32 $5.000000000e-01, v29  }
.Ltmp8:
0x132: {  	v23 =	vmul.f32 $5.000000000e-01, v23;
	v22 =	vsub.f32 v24, v13;
	vm4 =	vgt.s32 v19, $0x0;
	(pc) =	sbr.rel @p0 .LBB2_7-.Ltmp8, $4  }
0x133: {  	v19 =	vadd.f32 $0.0e+00, v20;
	v29 =	vadd.f32 v21, v3;
	vm5 =	vgt.s32 v28, $0x0  }
0x134: {  	v20 =	vsub.f32 v26, v25;
	v26 =	vadd.f32 v23, v4;
	vm3 =	vmand vm3, vm4  }
0x135: {  	vm2 =	vmand vm3, vm2;
	vm0 =	vmand vm0, vm5  }
0x136: {  	s22 =	sadd.s32 $0x10, s22;
	v21 =	vsub.f32 v27, v9;
	v24 =	vnsel vm2, $0x0, v10;
	v25 =	vadd.f32 v29, v29;
	v23 =	vld [tilespmem:s9+$0x6E00]  }
.Ltmp9:
0x137: {  	_ = 	snop;
	(pc) =	sbr.rel .LBB2_8-.Ltmp9, $1  }
0x138: {  	_ =	sdelay $0x3  }
.LBB2_12:
0x139: {  	_ =	sfence.sel $0x180000  }
0x13a: {  	[bflag:$0x0] =	sbarrier.arrive $0xFFFF  }
0x13b: {  	_ =	strace $0x90000047  }
0x13c: {  	s0 =	stileid.u32;
	[bflag:$0x2] =	sbarrier.arrive $0xFFFF  }
0x13d: {  	p0 =	sne.s32 s0, $0x0;
	s0 =	rddreg [dreg:$0x5]  }
0x13e: {  	s0 =	sadd.s32 @!p0 $0x100000, s0  }
0x13f: {  	[sflag:s0] =	ssyncadd.tile.s32 @!p0 $0x1;
	_ =	shalt  }
.Lfunc_end2:
_tile_overlayer_lowered:
.L_overlay_start_2:
0x140: {  	(tag) =	ssettag $0x2  }
0x141: {  	s0 =	rddreg [dreg:$0x0];
	s2 =	stileid.u32  }
0x142: {  	s1 =	rddreg [dreg:$0x1];
	p0 =	sne.s32 s2, $0x0  }
0x143: {  	s3 =	rddreg [dreg:$0x2];
	[bflag:$0x3] =	sbarrier.arrive $0xFFFF;
	s2 =	simm.s32 @!p0 $0x1C01  }
0x144: {  	[timem:s3], [sflag:s2] =	dma.local @!p0 [hbm:s0], s1  }
0x145: {  	s0 =	simm.s32 @!p0 $0x1  }
0x146: {  	_ =	swait.ge @!p0 [sflag:s0], s1  }
0x147: {  	s1 =	ssub.s32 @!p0 $0x0, s1;
	[sflag:s0] =	ssyncset.done @!p0 $0x0  }
0x148: {  	[sflag:s0] =	ssyncadd.s32 @!p0 s1  }
0x149: {  	[bflag:$0x3] =	sbarrier.arrive $0xFFFF  }
0x14a: {  	_ =	shalt  }

</sc_bundles>
